<compile_context>
chip_gen: v7x
topology: tpu7x:2x2x1
jax: 0.10.2.dev20260603
libtpu: 0.0.44.dev20260713+nightly
codegen_flags: <defaults>
</compile_context>

<pallas_src>
import functools

import jax
import jax.numpy as jnp
from jax import lax
from jax.experimental import pallas as pl
from jax.experimental.pallas import tpu as pltpu
from jax.experimental.pallas import tpu_sc as plsc

_INFO = plsc.get_sparse_core_info()
_NC, _NS = _INFO.num_cores, _INFO.num_subcores
_NW = _NC * _NS

_BATCH = 16384
_DIM = 64
_B_PER_W = _BATCH // _NW
_CHUNK = 128
_N_CHUNKS = _B_PER_W // _CHUNK


@functools.partial(
    pl.kernel,
    out_type=jax.ShapeDtypeStruct((_BATCH, _DIM), jnp.float32),
    mesh=plsc.VectorSubcoreMesh(core_axis_name="c", subcore_axis_name="s"),
    scratch_types=[
        pltpu.VMEM((_CHUNK, 1), jnp.int32),
        pltpu.VMEM((_B_PER_W, _DIM), jnp.float32),
        pltpu.SemaphoreType.DMA,
    ],
    compiler_params=pltpu.CompilerParams(use_tc_tiling_on_sc=True,
                                         needs_layout_passes=False),
)
def _gather_rows(table_hbm, idx_hbm, out_hbm, idx_v, rows_v, sem):
    wid = lax.axis_index("s") * _NC + lax.axis_index("c")
    base = wid * _B_PER_W
    lane = lax.iota(jnp.int32, 16)
    zero = jnp.zeros((16,), jnp.int32)

    def chunk_body(c, _):
        pltpu.sync_copy(idx_hbm.at[pl.ds(base + c * _CHUNK, _CHUNK)], idx_v)

        def group_body(g, _):
            idx_reg = plsc.load_gather(idx_v, [g * 16 + lane, zero])
            for k in range(16):
                row = idx_reg[k]
                pltpu.async_copy(
                    table_hbm.at[pl.ds(row, 1), :],
                    rows_v.at[pl.ds(c * _CHUNK + g * 16 + k, 1), :],
                    sem,
                )
            return 0

        lax.fori_loop(0, _CHUNK // 16, group_body, 0)
        return 0

    lax.fori_loop(0, _N_CHUNKS, chunk_body, 0)
    pltpu.make_async_copy(table_hbm.at[pl.ds(0, _B_PER_W), :], rows_v,
                          sem).wait()
    pltpu.sync_copy(rows_v, out_hbm.at[pl.ds(base, _B_PER_W), :])


def kernel(x, params):
    return _gather_rows(params, x)

# --- scband reference (transcript-rebuilt; emitter-appended) ---
"""Pipeline reference for scband-softmax-policy-34943853920531 (READ-ONLY COPY).

The authoritative reference and input builder live on the scoring server;
editing this copy changes nothing except your own understanding.
"""

import jax, jax.numpy as jnp
import numpy as np

PARAM_DIMS = (100000, 64)
BATCH = 16384

def setup_inputs(seed: int = 0) -> dict:
    key = jax.random.key(seed)
    k_idx, k_par = jax.random.split(key)
    # multi-index batch: each row of x indexes all leading dims of params (here 1 dim)
    x = jax.random.randint(k_idx, (BATCH, 1), 0, PARAM_DIMS[0], dtype=jnp.int64 if jax.config.jax_enable_x64 else jnp.int32)
    # mimic torch init: orthogonal-ish random matrix followed by softmax over rows
    raw = jax.random.normal(k_par, PARAM_DIMS, dtype=jnp.float32)
    params = jax.nn.softmax(raw, axis=-1)
    return {"x": x, "params": params}

def reference(x, params):
    # torch: torch.stack([self.params[*x[i], :] for i in range(len(x))])
    # With param_dims = [V, A] and x of shape [B, 1], this is a row gather:
    # out[i] = params[x[i, 0], :]
    idx = tuple(x[:, j] for j in range(x.shape[1]))
    out = params[idx]  # -> [B, n_actions]
    return out

if __name__ == "__main__":
    import jax
    _d = setup_inputs()
    print(jax.jit(kernel)(*tuple(_d.values())))

</pallas_src>

<mosaic_0001>
#map = affine_map<(d0, d1) -> (0, 0)>
module attributes {stable_mosaic.version = 14 : i64} {
  func.func @_gather_rows(%arg0: i32, %arg1: i32, %arg2: memref<100000x64xf32, #tpu.memory_space<hbm>>, %arg3: memref<16384x1xi32, #tpu.memory_space<hbm>>, %arg4: memref<16384x64xf32, #tpu.memory_space<hbm>>, %arg5: memref<128x1xi32, #tpu.memory_space<vmem>>, %arg6: memref<512x64xf32, #tpu.memory_space<vmem>>, %arg7: memref<!tpu.dma_semaphore, #tpu.memory_space<semaphore_mem>>) attributes {dimension_semantics = [#tpu.dimension_semantics<core_parallel>, #tpu.dimension_semantics<subcore_parallel>], iteration_bounds = array<i64: 2, 16>, scalar_prefetch = 0 : i64, scratch_operands = 3 : i64, tpu.core_type = #tpu.core_type<sc_vector_subcore>, window_params = [{transform_indices = #map}, {transform_indices = #map}, {transform_indices = #map}]} {
    %mul3A = arith.constant 2 : i32
    %mul3A_0 = arith.muli %arg1, %mul3A : i32
    %add3A = arith.addi %mul3A_0, %arg0 : i32
    %mul3A_1 = arith.constant 512 : i32
    %mul3A_2 = arith.muli %add3A, %mul3A_1 : i32
    %iota3A = tpu.iota {dimensions = array<i32: 0>} : vector<16xi32>
    %broadcast_in_dim3A = arith.constant 0 : i32
    %broadcast_in_dim3A_3 = vector.broadcast %broadcast_in_dim3A : i32 to vector<16xi32>
    %scan3A = arith.constant 0 : i32
    %scan3A_4 = arith.constant 0 : i32
    %scan3A_5 = arith.constant 4 : i32
    %scan3A_6 = arith.addi %scan3A_4, %scan3A_5 : i32
    %scan3A_7 = arith.constant 1 : i32
    %scan3A_8 = scf.for %scan3A_15 = %scan3A_4 to %scan3A_6 step %scan3A_7 iter_args(%scan3A_16 = %scan3A) -> (i32)  : i32 {
      %mul3A_17 = arith.constant 128 : i32
      %mul3A_18 = arith.muli %scan3A_15, %mul3A_17 : i32
      %add3A_19 = arith.addi %mul3A_2, %mul3A_18 : i32
      "tpu.region"() ({
        %run_scoped3A = tpu.sem_alloc : memref<!tpu.dma_semaphore, #tpu.memory_space<semaphore_mem>>
        %dma_start3A = arith.constant 0 : i32
        %dma_start3A_28 = tpu.memref_slice %arg3[%add3A_19, %dma_start3A] : memref<16384x1xi32, #tpu.memory_space<hbm>> -> memref<128x1xi32, #tpu.memory_space<hbm>>
        %dma_start3A_29 = arith.constant 0 : i32
        %dma_start3A_30 = tpu.memref_slice %arg3[%add3A_19, %dma_start3A_29] : memref<16384x1xi32, #tpu.memory_space<hbm>> -> memref<128x1xi32, #tpu.memory_space<hbm>>
        tpu.enqueue_dma source(%dma_start3A_30 : memref<128x1xi32, #tpu.memory_space<hbm>>) target(%arg5 : memref<128x1xi32, #tpu.memory_space<vmem>>) target_semaphore(%run_scoped3A : memref<!tpu.dma_semaphore, #tpu.memory_space<semaphore_mem>>)
        %dma_wait3A_31 = arith.constant 0 : i32
        %dma_wait3A_32 = tpu.memref_slice %arg3[%add3A_19, %dma_wait3A_31] : memref<16384x1xi32, #tpu.memory_space<hbm>> -> memref<128x1xi32, #tpu.memory_space<hbm>>
        %dma_wait3A_33 = arith.constant 0 : i32
        %dma_wait3A_34 = tpu.memref_slice %arg3[%add3A_19, %dma_wait3A_33] : memref<16384x1xi32, #tpu.memory_space<hbm>> -> memref<128x1xi32, #tpu.memory_space<hbm>>
        tpu.wait_dma2 semaphore(%run_scoped3A : memref<!tpu.dma_semaphore, #tpu.memory_space<semaphore_mem>>) src(%dma_wait3A_34 : memref<128x1xi32, #tpu.memory_space<hbm>>) dst(%arg5 : memref<128x1xi32, #tpu.memory_space<vmem>>)
        tpu.yield
      }) : () -> ()
      %scan3A_20 = arith.constant 0 : i32
      %scan3A_21 = arith.constant 0 : i32
      %scan3A_22 = arith.constant 8 : i32
      %scan3A_23 = arith.addi %scan3A_21, %scan3A_22 : i32
      %scan3A_24 = arith.constant 1 : i32
      %scan3A_25 = scf.for %scan3A_28 = %scan3A_21 to %scan3A_23 step %scan3A_24 iter_args(%scan3A_29 = %scan3A_20) -> (i32)  : i32 {
        %mul3A_30 = arith.constant 16 : i32
        %mul3A_31 = arith.muli %scan3A_28, %mul3A_30 : i32
        %add3A_32 = vector.broadcast %mul3A_31 : i32 to vector<16xi32>
        %add3A_33 = arith.addi %add3A_32, %iota3A : vector<16xi32>
        %gather3A = tpu.vector_load_idx %arg5[%add3A_33, %broadcast_in_dim3A_3] : memref<128x1xi32, #tpu.memory_space<vmem>>[vector<16xi32>, vector<16xi32>], vector<16xi32>,
        %slice3A = vector.extract_strided_slice %gather3A {offsets = [0], sizes = [1], strides = [1]} : vector<16xi32> to vector<1xi32>
        %squeeze3A = vector.extract %slice3A[0] : i32 from vector<1xi32>
        %mul3A_34 = arith.constant 128 : i32
        %mul3A_35 = arith.muli %scan3A_15, %mul3A_34 : i32
        %mul3A_36 = arith.constant 16 : i32
        %mul3A_37 = arith.muli %scan3A_28, %mul3A_36 : i32
        %add3A_38 = arith.addi %mul3A_35, %mul3A_37 : i32
        %add3A_39 = arith.constant 0 : i32
        %add3A_40 = arith.addi %add3A_38, %add3A_39 : i32
        %dma_start3A = arith.constant 0 : i32
        %dma_start3A_41 = tpu.memref_slice %arg6[%add3A_40, %dma_start3A] : memref<512x64xf32, #tpu.memory_space<vmem>> -> memref<1x64xf32, #tpu.memory_space<vmem>>
        %dma_start3A_42 = arith.constant 0 : i32
        %dma_start3A_43 = tpu.memref_slice %arg2[%squeeze3A, %dma_start3A_42] : memref<100000x64xf32, #tpu.memory_space<hbm>> -> memref<1x64xf32, #tpu.memory_space<hbm>>
        %dma_start3A_44 = arith.constant 0 : i32
        %dma_start3A_45 = tpu.memref_slice %arg6[%add3A_40, %dma_start3A_44] : memref<512x64xf32, #tpu.memory_space<vmem>> -> memref<1x64xf32, #tpu.memory_space<vmem>>
        %dma_start3A_46 = arith.constant 0 : i32
        %dma_start3A_47 = tpu.memref_slice %arg2[%squeeze3A, %dma_start3A_46] : memref<100000x64xf32, #tpu.memory_space<hbm>> -> memref<1x64xf32, #tpu.memory_space<hbm>>
        tpu.enqueue_dma source(%dma_start3A_47 : memref<1x64xf32, #tpu.memory_space<hbm>>) target(%dma_start3A_45 : memref<1x64xf32, #tpu.memory_space<vmem>>) target_semaphore(%arg7 : memref<!tpu.dma_semaphore, #tpu.memory_space<semaphore_mem>>)
        %slice3A_48 = vector.extract_strided_slice %gather3A {offsets = [1], sizes = [1], strides = [1]} : vector<16xi32> to vector<1xi32>
        %squeeze3A_49 = vector.extract %slice3A_48[0] : i32 from vector<1xi32>
        %mul3A_50 = arith.constant 128 : i32
        %mul3A_51 = arith.muli %scan3A_15, %mul3A_50 : i32
        %mul3A_52 = arith.constant 16 : i32
        %mul3A_53 = arith.muli %scan3A_28, %mul3A_52 : i32
        %add3A_54 = arith.addi %mul3A_51, %mul3A_53 : i32
        %add3A_55 = arith.constant 1 : i32
        %add3A_56 = arith.addi %add3A_54, %add3A_55 : i32
        %dma_start3A_57 = arith.constant 0 : i32
        %dma_start3A_58 = tpu.memref_slice %arg6[%add3A_56, %dma_start3A_57] : memref<512x64xf32, #tpu.memory_space<vmem>> -> memref<1x64xf32, #tpu.memory_space<vmem>>
        %dma_start3A_59 = arith.constant 0 : i32
        %dma_start3A_60 = tpu.memref_slice %arg2[%squeeze3A_49, %dma_start3A_59] : memref<100000x64xf32, #tpu.memory_space<hbm>> -> memref<1x64xf32, #tpu.memory_space<hbm>>
        %dma_start3A_61 = arith.constant 0 : i32
        %dma_start3A_62 = tpu.memref_slice %arg6[%add3A_56, %dma_start3A_61] : memref<512x64xf32, #tpu.memory_space<vmem>> -> memref<1x64xf32, #tpu.memory_space<vmem>>
        %dma_start3A_63 = arith.constant 0 : i32
        %dma_start3A_64 = tpu.memref_slice %arg2[%squeeze3A_49, %dma_start3A_63] : memref<100000x64xf32, #tpu.memory_space<hbm>> -> memref<1x64xf32, #tpu.memory_space<hbm>>
        tpu.enqueue_dma source(%dma_start3A_64 : memref<1x64xf32, #tpu.memory_space<hbm>>) target(%dma_start3A_62 : memref<1x64xf32, #tpu.memory_space<vmem>>) target_semaphore(%arg7 : memref<!tpu.dma_semaphore, #tpu.memory_space<semaphore_mem>>)
        %slice3A_65 = vector.extract_strided_slice %gather3A {offsets = [2], sizes = [1], strides = [1]} : vector<16xi32> to vector<1xi32>
        %squeeze3A_66 = vector.extract %slice3A_65[0] : i32 from vector<1xi32>
        %mul3A_67 = arith.constant 128 : i32
        %mul3A_68 = arith.muli %scan3A_15, %mul3A_67 : i32
        %mul3A_69 = arith.constant 16 : i32
        %mul3A_70 = arith.muli %scan3A_28, %mul3A_69 : i32
        %add3A_71 = arith.addi %mul3A_68, %mul3A_70 : i32
        %add3A_72 = arith.constant 2 : i32
        %add3A_73 = arith.addi %add3A_71, %add3A_72 : i32
        %dma_start3A_74 = arith.constant 0 : i32
        %dma_start3A_75 = tpu.memref_slice %arg6[%add3A_73, %dma_start3A_74] : memref<512x64xf32, #tpu.memory_space<vmem>> -> memref<1x64xf32, #tpu.memory_space<vmem>>
        %dma_start3A_76 = arith.constant 0 : i32
        %dma_start3A_77 = tpu.memref_slice %arg2[%squeeze3A_66, %dma_start3A_76] : memref<100000x64xf32, #tpu.memory_space<hbm>> -> memref<1x64xf32, #tpu.memory_space<hbm>>
        %dma_start3A_78 = arith.constant 0 : i32
        %dma_start3A_79 = tpu.memref_slice %arg6[%add3A_73, %dma_start3A_78] : memref<512x64xf32, #tpu.memory_space<vmem>> -> memref<1x64xf32, #tpu.memory_space<vmem>>
        %dma_start3A_80 = arith.constant 0 : i32
        %dma_start3A_81 = tpu.memref_slice %arg2[%squeeze3A_66, %dma_start3A_80] : memref<100000x64xf32, #tpu.memory_space<hbm>> -> memref<1x64xf32, #tpu.memory_space<hbm>>
        tpu.enqueue_dma source(%dma_start3A_81 : memref<1x64xf32, #tpu.memory_space<hbm>>) target(%dma_start3A_79 : memref<1x64xf32, #tpu.memory_space<vmem>>) target_semaphore(%arg7 : memref<!tpu.dma_semaphore, #tpu.memory_space<semaphore_mem>>)
        %slice3A_82 = vector.extract_strided_slice %gather3A {offsets = [3], sizes = [1], strides = [1]} : vector<16xi32> to vector<1xi32>
        %squeeze3A_83 = vector.extract %slice3A_82[0] : i32 from vector<1xi32>
        %mul3A_84 = arith.constant 128 : i32
        %mul3A_85 = arith.muli %scan3A_15, %mul3A_84 : i32
        %mul3A_86 = arith.constant 16 : i32
        %mul3A_87 = arith.muli %scan3A_28, %mul3A_86 : i32
        %add3A_88 = arith.addi %mul3A_85, %mul3A_87 : i32
        %add3A_89 = arith.constant 3 : i32
        %add3A_90 = arith.addi %add3A_88, %add3A_89 : i32
        %dma_start3A_91 = arith.constant 0 : i32
        %dma_start3A_92 = tpu.memref_slice %arg6[%add3A_90, %dma_start3A_91] : memref<512x64xf32, #tpu.memory_space<vmem>> -> memref<1x64xf32, #tpu.memory_space<vmem>>
        %dma_start3A_93 = arith.constant 0 : i32
        %dma_start3A_94 = tpu.memref_slice %arg2[%squeeze3A_83, %dma_start3A_93] : memref<100000x64xf32, #tpu.memory_space<hbm>> -> memref<1x64xf32, #tpu.memory_space<hbm>>
        %dma_start3A_95 = arith.constant 0 : i32
        %dma_start3A_96 = tpu.memref_slice %arg6[%add3A_90, %dma_start3A_95] : memref<512x64xf32, #tpu.memory_space<vmem>> -> memref<1x64xf32, #tpu.memory_space<vmem>>
        %dma_start3A_97 = arith.constant 0 : i32
        %dma_start3A_98 = tpu.memref_slice %arg2[%squeeze3A_83, %dma_start3A_97] : memref<100000x64xf32, #tpu.memory_space<hbm>> -> memref<1x64xf32, #tpu.memory_space<hbm>>
        tpu.enqueue_dma source(%dma_start3A_98 : memref<1x64xf32, #tpu.memory_space<hbm>>) target(%dma_start3A_96 : memref<1x64xf32, #tpu.memory_space<vmem>>) target_semaphore(%arg7 : memref<!tpu.dma_semaphore, #tpu.memory_space<semaphore_mem>>)
        %slice3A_99 = vector.extract_strided_slice %gather3A {offsets = [4], sizes = [1], strides = [1]} : vector<16xi32> to vector<1xi32>
        %squeeze3A_100 = vector.extract %slice3A_99[0] : i32 from vector<1xi32>
        %mul3A_101 = arith.constant 128 : i32
        %mul3A_102 = arith.muli %scan3A_15, %mul3A_101 : i32
        %mul3A_103 = arith.constant 16 : i32
        %mul3A_104 = arith.muli %scan3A_28, %mul3A_103 : i32
        %add3A_105 = arith.addi %mul3A_102, %mul3A_104 : i32
        %add3A_106 = arith.constant 4 : i32
        %add3A_107 = arith.addi %add3A_105, %add3A_106 : i32
        %dma_start3A_108 = arith.constant 0 : i32
        %dma_start3A_109 = tpu.memref_slice %arg6[%add3A_107, %dma_start3A_108] : memref<512x64xf32, #tpu.memory_space<vmem>> -> memref<1x64xf32, #tpu.memory_space<vmem>>
        %dma_start3A_110 = arith.constant 0 : i32
        %dma_start3A_111 = tpu.memref_slice %arg2[%squeeze3A_100, %dma_start3A_110] : memref<100000x64xf32, #tpu.memory_space<hbm>> -> memref<1x64xf32, #tpu.memory_space<hbm>>
        %dma_start3A_112 = arith.constant 0 : i32
        %dma_start3A_113 = tpu.memref_slice %arg6[%add3A_107, %dma_start3A_112] : memref<512x64xf32, #tpu.memory_space<vmem>> -> memref<1x64xf32, #tpu.memory_space<vmem>>
        %dma_start3A_114 = arith.constant 0 : i32
        %dma_start3A_115 = tpu.memref_slice %arg2[%squeeze3A_100, %dma_start3A_114] : memref<100000x64xf32, #tpu.memory_space<hbm>> -> memref<1x64xf32, #tpu.memory_space<hbm>>
        tpu.enqueue_dma source(%dma_start3A_115 : memref<1x64xf32, #tpu.memory_space<hbm>>) target(%dma_start3A_113 : memref<1x64xf32, #tpu.memory_space<vmem>>) target_semaphore(%arg7 : memref<!tpu.dma_semaphore, #tpu.memory_space<semaphore_mem>>)
        %slice3A_116 = vector.extract_strided_slice %gather3A {offsets = [5], sizes = [1], strides = [1]} : vector<16xi32> to vector<1xi32>
        %squeeze3A_117 = vector.extract %slice3A_116[0] : i32 from vector<1xi32>
        %mul3A_118 = arith.constant 128 : i32
        %mul3A_119 = arith.muli %scan3A_15, %mul3A_118 : i32
        %mul3A_120 = arith.constant 16 : i32
        %mul3A_121 = arith.muli %scan3A_28, %mul3A_120 : i32
        %add3A_122 = arith.addi %mul3A_119, %mul3A_121 : i32
        %add3A_123 = arith.constant 5 : i32
        %add3A_124 = arith.addi %add3A_122, %add3A_123 : i32
        %dma_start3A_125 = arith.constant 0 : i32
        %dma_start3A_126 = tpu.memref_slice %arg6[%add3A_124, %dma_start3A_125] : memref<512x64xf32, #tpu.memory_space<vmem>> -> memref<1x64xf32, #tpu.memory_space<vmem>>
        %dma_start3A_127 = arith.constant 0 : i32
        %dma_start3A_128 = tpu.memref_slice %arg2[%squeeze3A_117, %dma_start3A_127] : memref<100000x64xf32, #tpu.memory_space<hbm>> -> memref<1x64xf32, #tpu.memory_space<hbm>>
        %dma_start3A_129 = arith.constant 0 : i32
        %dma_start3A_130 = tpu.memref_slice %arg6[%add3A_124, %dma_start3A_129] : memref<512x64xf32, #tpu.memory_space<vmem>> -> memref<1x64xf32, #tpu.memory_space<vmem>>
        %dma_start3A_131 = arith.constant 0 : i32
        %dma_start3A_132 = tpu.memref_slice %arg2[%squeeze3A_117, %dma_start3A_131] : memref<100000x64xf32, #tpu.memory_space<hbm>> -> memref<1x64xf32, #tpu.memory_space<hbm>>
        tpu.enqueue_dma source(%dma_start3A_132 : memref<1x64xf32, #tpu.memory_space<hbm>>) target(%dma_start3A_130 : memref<1x64xf32, #tpu.memory_space<vmem>>) target_semaphore(%arg7 : memref<!tpu.dma_semaphore, #tpu.memory_space<semaphore_mem>>)
        %slice3A_133 = vector.extract_strided_slice %gather3A {offsets = [6], sizes = [1], strides = [1]} : vector<16xi32> to vector<1xi32>
        %squeeze3A_134 = vector.extract %slice3A_133[0] : i32 from vector<1xi32>
        %mul3A_135 = arith.constant 128 : i32
        %mul3A_136 = arith.muli %scan3A_15, %mul3A_135 : i32
        %mul3A_137 = arith.constant 16 : i32
        %mul3A_138 = arith.muli %scan3A_28, %mul3A_137 : i32
        %add3A_139 = arith.addi %mul3A_136, %mul3A_138 : i32
        %add3A_140 = arith.constant 6 : i32
        %add3A_141 = arith.addi %add3A_139, %add3A_140 : i32
        %dma_start3A_142 = arith.constant 0 : i32
        %dma_start3A_143 = tpu.memref_slice %arg6[%add3A_141, %dma_start3A_142] : memref<512x64xf32, #tpu.memory_space<vmem>> -> memref<1x64xf32, #tpu.memory_space<vmem>>
        %dma_start3A_144 = arith.constant 0 : i32
        %dma_start3A_145 = tpu.memref_slice %arg2[%squeeze3A_134, %dma_start3A_144] : memref<100000x64xf32, #tpu.memory_space<hbm>> -> memref<1x64xf32, #tpu.memory_space<hbm>>
        %dma_start3A_146 = arith.constant 0 : i32
        %dma_start3A_147 = tpu.memref_slice %arg6[%add3A_141, %dma_start3A_146] : memref<512x64xf32, #tpu.memory_space<vmem>> -> memref<1x64xf32, #tpu.memory_space<vmem>>
        %dma_start3A_148 = arith.constant 0 : i32
        %dma_start3A_149 = tpu.memref_slice %arg2[%squeeze3A_134, %dma_start3A_148] : memref<100000x64xf32, #tpu.memory_space<hbm>> -> memref<1x64xf32, #tpu.memory_space<hbm>>
        tpu.enqueue_dma source(%dma_start3A_149 : memref<1x64xf32, #tpu.memory_space<hbm>>) target(%dma_start3A_147 : memref<1x64xf32, #tpu.memory_space<vmem>>) target_semaphore(%arg7 : memref<!tpu.dma_semaphore, #tpu.memory_space<semaphore_mem>>)
        %slice3A_150 = vector.extract_strided_slice %gather3A {offsets = [7], sizes = [1], strides = [1]} : vector<16xi32> to vector<1xi32>
        %squeeze3A_151 = vector.extract %slice3A_150[0] : i32 from vector<1xi32>
        %mul3A_152 = arith.constant 128 : i32
        %mul3A_153 = arith.muli %scan3A_15, %mul3A_152 : i32
        %mul3A_154 = arith.constant 16 : i32
        %mul3A_155 = arith.muli %scan3A_28, %mul3A_154 : i32
        %add3A_156 = arith.addi %mul3A_153, %mul3A_155 : i32
        %add3A_157 = arith.constant 7 : i32
        %add3A_158 = arith.addi %add3A_156, %add3A_157 : i32
        %dma_start3A_159 = arith.constant 0 : i32
        %dma_start3A_160 = tpu.memref_slice %arg6[%add3A_158, %dma_start3A_159] : memref<512x64xf32, #tpu.memory_space<vmem>> -> memref<1x64xf32, #tpu.memory_space<vmem>>
        %dma_start3A_161 = arith.constant 0 : i32
        %dma_start3A_162 = tpu.memref_slice %arg2[%squeeze3A_151, %dma_start3A_161] : memref<100000x64xf32, #tpu.memory_space<hbm>> -> memref<1x64xf32, #tpu.memory_space<hbm>>
        %dma_start3A_163 = arith.constant 0 : i32
        %dma_start3A_164 = tpu.memref_slice %arg6[%add3A_158, %dma_start3A_163] : memref<512x64xf32, #tpu.memory_space<vmem>> -> memref<1x64xf32, #tpu.memory_space<vmem>>
        %dma_start3A_165 = arith.constant 0 : i32
        %dma_start3A_166 = tpu.memref_slice %arg2[%squeeze3A_151, %dma_start3A_165] : memref<100000x64xf32, #tpu.memory_space<hbm>> -> memref<1x64xf32, #tpu.memory_space<hbm>>
        tpu.enqueue_dma source(%dma_start3A_166 : memref<1x64xf32, #tpu.memory_space<hbm>>) target(%dma_start3A_164 : memref<1x64xf32, #tpu.memory_space<vmem>>) target_semaphore(%arg7 : memref<!tpu.dma_semaphore, #tpu.memory_space<semaphore_mem>>)
        %slice3A_167 = vector.extract_strided_slice %gather3A {offsets = [8], sizes = [1], strides = [1]} : vector<16xi32> to vector<1xi32>
        %squeeze3A_168 = vector.extract %slice3A_167[0] : i32 from vector<1xi32>
        %mul3A_169 = arith.constant 128 : i32
        %mul3A_170 = arith.muli %scan3A_15, %mul3A_169 : i32
        %mul3A_171 = arith.constant 16 : i32
        %mul3A_172 = arith.muli %scan3A_28, %mul3A_171 : i32
        %add3A_173 = arith.addi %mul3A_170, %mul3A_172 : i32
        %add3A_174 = arith.constant 8 : i32
        %add3A_175 = arith.addi %add3A_173, %add3A_174 : i32
        %dma_start3A_176 = arith.constant 0 : i32
        %dma_start3A_177 = tpu.memref_slice %arg6[%add3A_175, %dma_start3A_176] : memref<512x64xf32, #tpu.memory_space<vmem>> -> memref<1x64xf32, #tpu.memory_space<vmem>>
        %dma_start3A_178 = arith.constant 0 : i32
        %dma_start3A_179 = tpu.memref_slice %arg2[%squeeze3A_168, %dma_start3A_178] : memref<100000x64xf32, #tpu.memory_space<hbm>> -> memref<1x64xf32, #tpu.memory_space<hbm>>
        %dma_start3A_180 = arith.constant 0 : i32
        %dma_start3A_181 = tpu.memref_slice %arg6[%add3A_175, %dma_start3A_180] : memref<512x64xf32, #tpu.memory_space<vmem>> -> memref<1x64xf32, #tpu.memory_space<vmem>>
        %dma_start3A_182 = arith.constant 0 : i32
        %dma_start3A_183 = tpu.memref_slice %arg2[%squeeze3A_168, %dma_start3A_182] : memref<100000x64xf32, #tpu.memory_space<hbm>> -> memref<1x64xf32, #tpu.memory_space<hbm>>
        tpu.enqueue_dma source(%dma_start3A_183 : memref<1x64xf32, #tpu.memory_space<hbm>>) target(%dma_start3A_181 : memref<1x64xf32, #tpu.memory_space<vmem>>) target_semaphore(%arg7 : memref<!tpu.dma_semaphore, #tpu.memory_space<semaphore_mem>>)
        %slice3A_184 = vector.extract_strided_slice %gather3A {offsets = [9], sizes = [1], strides = [1]} : vector<16xi32> to vector<1xi32>
        %squeeze3A_185 = vector.extract %slice3A_184[0] : i32 from vector<1xi32>
        %mul3A_186 = arith.constant 128 : i32
        %mul3A_187 = arith.muli %scan3A_15, %mul3A_186 : i32
        %mul3A_188 = arith.constant 16 : i32
        %mul3A_189 = arith.muli %scan3A_28, %mul3A_188 : i32
        %add3A_190 = arith.addi %mul3A_187, %mul3A_189 : i32
        %add3A_191 = arith.constant 9 : i32
        %add3A_192 = arith.addi %add3A_190, %add3A_191 : i32
        %dma_start3A_193 = arith.constant 0 : i32
        %dma_start3A_194 = tpu.memref_slice %arg6[%add3A_192, %dma_start3A_193] : memref<512x64xf32, #tpu.memory_space<vmem>> -> memref<1x64xf32, #tpu.memory_space<vmem>>
        %dma_start3A_195 = arith.constant 0 : i32
        %dma_start3A_196 = tpu.memref_slice %arg2[%squeeze3A_185, %dma_start3A_195] : memref<100000x64xf32, #tpu.memory_space<hbm>> -> memref<1x64xf32, #tpu.memory_space<hbm>>
        %dma_start3A_197 = arith.constant 0 : i32
        %dma_start3A_198 = tpu.memref_slice %arg6[%add3A_192, %dma_start3A_197] : memref<512x64xf32, #tpu.memory_space<vmem>> -> memref<1x64xf32, #tpu.memory_space<vmem>>
        %dma_start3A_199 = arith.constant 0 : i32
        %dma_start3A_200 = tpu.memref_slice %arg2[%squeeze3A_185, %dma_start3A_199] : memref<100000x64xf32, #tpu.memory_space<hbm>> -> memref<1x64xf32, #tpu.memory_space<hbm>>
        tpu.enqueue_dma source(%dma_start3A_200 : memref<1x64xf32, #tpu.memory_space<hbm>>) target(%dma_start3A_198 : memref<1x64xf32, #tpu.memory_space<vmem>>) target_semaphore(%arg7 : memref<!tpu.dma_semaphore, #tpu.memory_space<semaphore_mem>>)
        %slice3A_201 = vector.extract_strided_slice %gather3A {offsets = [10], sizes = [1], strides = [1]} : vector<16xi32> to vector<1xi32>
        %squeeze3A_202 = vector.extract %slice3A_201[0] : i32 from vector<1xi32>
        %mul3A_203 = arith.constant 128 : i32
        %mul3A_204 = arith.muli %scan3A_15, %mul3A_203 : i32
        %mul3A_205 = arith.constant 16 : i32
        %mul3A_206 = arith.muli %scan3A_28, %mul3A_205 : i32
        %add3A_207 = arith.addi %mul3A_204, %mul3A_206 : i32
        %add3A_208 = arith.constant 10 : i32
        %add3A_209 = arith.addi %add3A_207, %add3A_208 : i32
        %dma_start3A_210 = arith.constant 0 : i32
        %dma_start3A_211 = tpu.memref_slice %arg6[%add3A_209, %dma_start3A_210] : memref<512x64xf32, #tpu.memory_space<vmem>> -> memref<1x64xf32, #tpu.memory_space<vmem>>
        %dma_start3A_212 = arith.constant 0 : i32
        %dma_start3A_213 = tpu.memref_slice %arg2[%squeeze3A_202, %dma_start3A_212] : memref<100000x64xf32, #tpu.memory_space<hbm>> -> memref<1x64xf32, #tpu.memory_space<hbm>>
        %dma_start3A_214 = arith.constant 0 : i32
        %dma_start3A_215 = tpu.memref_slice %arg6[%add3A_209, %dma_start3A_214] : memref<512x64xf32, #tpu.memory_space<vmem>> -> memref<1x64xf32, #tpu.memory_space<vmem>>
        %dma_start3A_216 = arith.constant 0 : i32
        %dma_start3A_217 = tpu.memref_slice %arg2[%squeeze3A_202, %dma_start3A_216] : memref<100000x64xf32, #tpu.memory_space<hbm>> -> memref<1x64xf32, #tpu.memory_space<hbm>>
        tpu.enqueue_dma source(%dma_start3A_217 : memref<1x64xf32, #tpu.memory_space<hbm>>) target(%dma_start3A_215 : memref<1x64xf32, #tpu.memory_space<vmem>>) target_semaphore(%arg7 : memref<!tpu.dma_semaphore, #tpu.memory_space<semaphore_mem>>)
        %slice3A_218 = vector.extract_strided_slice %gather3A {offsets = [11], sizes = [1], strides = [1]} : vector<16xi32> to vector<1xi32>
        %squeeze3A_219 = vector.extract %slice3A_218[0] : i32 from vector<1xi32>
        %mul3A_220 = arith.constant 128 : i32
        %mul3A_221 = arith.muli %scan3A_15, %mul3A_220 : i32
        %mul3A_222 = arith.constant 16 : i32
        %mul3A_223 = arith.muli %scan3A_28, %mul3A_222 : i32
        %add3A_224 = arith.addi %mul3A_221, %mul3A_223 : i32
        %add3A_225 = arith.constant 11 : i32
        %add3A_226 = arith.addi %add3A_224, %add3A_225 : i32
        %dma_start3A_227 = arith.constant 0 : i32
        %dma_start3A_228 = tpu.memref_slice %arg6[%add3A_226, %dma_start3A_227] : memref<512x64xf32, #tpu.memory_space<vmem>> -> memref<1x64xf32, #tpu.memory_space<vmem>>
        %dma_start3A_229 = arith.constant 0 : i32
        %dma_start3A_230 = tpu.memref_slice %arg2[%squeeze3A_219, %dma_start3A_229] : memref<100000x64xf32, #tpu.memory_space<hbm>> -> memref<1x64xf32, #tpu.memory_space<hbm>>
        %dma_start3A_231 = arith.constant 0 : i32
        %dma_start3A_232 = tpu.memref_slice %arg6[%add3A_226, %dma_start3A_231] : memref<512x64xf32, #tpu.memory_space<vmem>> -> memref<1x64xf32, #tpu.memory_space<vmem>>
        %dma_start3A_233 = arith.constant 0 : i32
        %dma_start3A_234 = tpu.memref_slice %arg2[%squeeze3A_219, %dma_start3A_233] : memref<100000x64xf32, #tpu.memory_space<hbm>> -> memref<1x64xf32, #tpu.memory_space<hbm>>
        tpu.enqueue_dma source(%dma_start3A_234 : memref<1x64xf32, #tpu.memory_space<hbm>>) target(%dma_start3A_232 : memref<1x64xf32, #tpu.memory_space<vmem>>) target_semaphore(%arg7 : memref<!tpu.dma_semaphore, #tpu.memory_space<semaphore_mem>>)
        %slice3A_235 = vector.extract_strided_slice %gather3A {offsets = [12], sizes = [1], strides = [1]} : vector<16xi32> to vector<1xi32>
        %squeeze3A_236 = vector.extract %slice3A_235[0] : i32 from vector<1xi32>
        %mul3A_237 = arith.constant 128 : i32
        %mul3A_238 = arith.muli %scan3A_15, %mul3A_237 : i32
        %mul3A_239 = arith.constant 16 : i32
        %mul3A_240 = arith.muli %scan3A_28, %mul3A_239 : i32
        %add3A_241 = arith.addi %mul3A_238, %mul3A_240 : i32
        %add3A_242 = arith.constant 12 : i32
        %add3A_243 = arith.addi %add3A_241, %add3A_242 : i32
        %dma_start3A_244 = arith.constant 0 : i32
        %dma_start3A_245 = tpu.memref_slice %arg6[%add3A_243, %dma_start3A_244] : memref<512x64xf32, #tpu.memory_space<vmem>> -> memref<1x64xf32, #tpu.memory_space<vmem>>
        %dma_start3A_246 = arith.constant 0 : i32
        %dma_start3A_247 = tpu.memref_slice %arg2[%squeeze3A_236, %dma_start3A_246] : memref<100000x64xf32, #tpu.memory_space<hbm>> -> memref<1x64xf32, #tpu.memory_space<hbm>>
        %dma_start3A_248 = arith.constant 0 : i32
        %dma_start3A_249 = tpu.memref_slice %arg6[%add3A_243, %dma_start3A_248] : memref<512x64xf32, #tpu.memory_space<vmem>> -> memref<1x64xf32, #tpu.memory_space<vmem>>
        %dma_start3A_250 = arith.constant 0 : i32
        %dma_start3A_251 = tpu.memref_slice %arg2[%squeeze3A_236, %dma_start3A_250] : memref<100000x64xf32, #tpu.memory_space<hbm>> -> memref<1x64xf32, #tpu.memory_space<hbm>>
        tpu.enqueue_dma source(%dma_start3A_251 : memref<1x64xf32, #tpu.memory_space<hbm>>) target(%dma_start3A_249 : memref<1x64xf32, #tpu.memory_space<vmem>>) target_semaphore(%arg7 : memref<!tpu.dma_semaphore, #tpu.memory_space<semaphore_mem>>)
        %slice3A_252 = vector.extract_strided_slice %gather3A {offsets = [13], sizes = [1], strides = [1]} : vector<16xi32> to vector<1xi32>
        %squeeze3A_253 = vector.extract %slice3A_252[0] : i32 from vector<1xi32>
        %mul3A_254 = arith.constant 128 : i32
        %mul3A_255 = arith.muli %scan3A_15, %mul3A_254 : i32
        %mul3A_256 = arith.constant 16 : i32
        %mul3A_257 = arith.muli %scan3A_28, %mul3A_256 : i32
        %add3A_258 = arith.addi %mul3A_255, %mul3A_257 : i32
        %add3A_259 = arith.constant 13 : i32
        %add3A_260 = arith.addi %add3A_258, %add3A_259 : i32
        %dma_start3A_261 = arith.constant 0 : i32
        %dma_start3A_262 = tpu.memref_slice %arg6[%add3A_260, %dma_start3A_261] : memref<512x64xf32, #tpu.memory_space<vmem>> -> memref<1x64xf32, #tpu.memory_space<vmem>>
        %dma_start3A_263 = arith.constant 0 : i32
        %dma_start3A_264 = tpu.memref_slice %arg2[%squeeze3A_253, %dma_start3A_263] : memref<100000x64xf32, #tpu.memory_space<hbm>> -> memref<1x64xf32, #tpu.memory_space<hbm>>
        %dma_start3A_265 = arith.constant 0 : i32
        %dma_start3A_266 = tpu.memref_slice %arg6[%add3A_260, %dma_start3A_265] : memref<512x64xf32, #tpu.memory_space<vmem>> -> memref<1x64xf32, #tpu.memory_space<vmem>>
        %dma_start3A_267 = arith.constant 0 : i32
        %dma_start3A_268 = tpu.memref_slice %arg2[%squeeze3A_253, %dma_start3A_267] : memref<100000x64xf32, #tpu.memory_space<hbm>> -> memref<1x64xf32, #tpu.memory_space<hbm>>
        tpu.enqueue_dma source(%dma_start3A_268 : memref<1x64xf32, #tpu.memory_space<hbm>>) target(%dma_start3A_266 : memref<1x64xf32, #tpu.memory_space<vmem>>) target_semaphore(%arg7 : memref<!tpu.dma_semaphore, #tpu.memory_space<semaphore_mem>>)
        %slice3A_269 = vector.extract_strided_slice %gather3A {offsets = [14], sizes = [1], strides = [1]} : vector<16xi32> to vector<1xi32>
        %squeeze3A_270 = vector.extract %slice3A_269[0] : i32 from vector<1xi32>
        %mul3A_271 = arith.constant 128 : i32
        %mul3A_272 = arith.muli %scan3A_15, %mul3A_271 : i32
        %mul3A_273 = arith.constant 16 : i32
        %mul3A_274 = arith.muli %scan3A_28, %mul3A_273 : i32
        %add3A_275 = arith.addi %mul3A_272, %mul3A_274 : i32
        %add3A_276 = arith.constant 14 : i32
        %add3A_277 = arith.addi %add3A_275, %add3A_276 : i32
        %dma_start3A_278 = arith.constant 0 : i32
        %dma_start3A_279 = tpu.memref_slice %arg6[%add3A_277, %dma_start3A_278] : memref<512x64xf32, #tpu.memory_space<vmem>> -> memref<1x64xf32, #tpu.memory_space<vmem>>
        %dma_start3A_280 = arith.constant 0 : i32
        %dma_start3A_281 = tpu.memref_slice %arg2[%squeeze3A_270, %dma_start3A_280] : memref<100000x64xf32, #tpu.memory_space<hbm>> -> memref<1x64xf32, #tpu.memory_space<hbm>>
        %dma_start3A_282 = arith.constant 0 : i32
        %dma_start3A_283 = tpu.memref_slice %arg6[%add3A_277, %dma_start3A_282] : memref<512x64xf32, #tpu.memory_space<vmem>> -> memref<1x64xf32, #tpu.memory_space<vmem>>
        %dma_start3A_284 = arith.constant 0 : i32
        %dma_start3A_285 = tpu.memref_slice %arg2[%squeeze3A_270, %dma_start3A_284] : memref<100000x64xf32, #tpu.memory_space<hbm>> -> memref<1x64xf32, #tpu.memory_space<hbm>>
        tpu.enqueue_dma source(%dma_start3A_285 : memref<1x64xf32, #tpu.memory_space<hbm>>) target(%dma_start3A_283 : memref<1x64xf32, #tpu.memory_space<vmem>>) target_semaphore(%arg7 : memref<!tpu.dma_semaphore, #tpu.memory_space<semaphore_mem>>)
        %slice3A_286 = vector.extract_strided_slice %gather3A {offsets = [15], sizes = [1], strides = [1]} : vector<16xi32> to vector<1xi32>
        %squeeze3A_287 = vector.extract %slice3A_286[0] : i32 from vector<1xi32>
        %mul3A_288 = arith.constant 128 : i32
        %mul3A_289 = arith.muli %scan3A_15, %mul3A_288 : i32
        %mul3A_290 = arith.constant 16 : i32
        %mul3A_291 = arith.muli %scan3A_28, %mul3A_290 : i32
        %add3A_292 = arith.addi %mul3A_289, %mul3A_291 : i32
        %add3A_293 = arith.constant 15 : i32
        %add3A_294 = arith.addi %add3A_292, %add3A_293 : i32
        %dma_start3A_295 = arith.constant 0 : i32
        %dma_start3A_296 = tpu.memref_slice %arg6[%add3A_294, %dma_start3A_295] : memref<512x64xf32, #tpu.memory_space<vmem>> -> memref<1x64xf32, #tpu.memory_space<vmem>>
        %dma_start3A_297 = arith.constant 0 : i32
        %dma_start3A_298 = tpu.memref_slice %arg2[%squeeze3A_287, %dma_start3A_297] : memref<100000x64xf32, #tpu.memory_space<hbm>> -> memref<1x64xf32, #tpu.memory_space<hbm>>
        %dma_start3A_299 = arith.constant 0 : i32
        %dma_start3A_300 = tpu.memref_slice %arg6[%add3A_294, %dma_start3A_299] : memref<512x64xf32, #tpu.memory_space<vmem>> -> memref<1x64xf32, #tpu.memory_space<vmem>>
        %dma_start3A_301 = arith.constant 0 : i32
        %dma_start3A_302 = tpu.memref_slice %arg2[%squeeze3A_287, %dma_start3A_301] : memref<100000x64xf32, #tpu.memory_space<hbm>> -> memref<1x64xf32, #tpu.memory_space<hbm>>
        tpu.enqueue_dma source(%dma_start3A_302 : memref<1x64xf32, #tpu.memory_space<hbm>>) target(%dma_start3A_300 : memref<1x64xf32, #tpu.memory_space<vmem>>) target_semaphore(%arg7 : memref<!tpu.dma_semaphore, #tpu.memory_space<semaphore_mem>>)
        %scan3A_303 = arith.constant 0 : i32
        scf.yield %scan3A_303 : i32
      }
      %scan3A_26 = arith.constant 8 : i32
      %scan3A_27 = arith.constant 0 : i32
      scf.yield %scan3A_27 : i32
    }
    %scan3A_9 = arith.constant 4 : i32
    %dma_wait3A = arith.constant 0 : i32
    %dma_wait3A_10 = arith.constant 0 : i32
    %dma_wait3A_11 = tpu.memref_slice %arg2[%dma_wait3A, %dma_wait3A_10] : memref<100000x64xf32, #tpu.memory_space<hbm>> -> memref<512x64xf32, #tpu.memory_space<hbm>>
    %dma_wait3A_12 = arith.constant 0 : i32
    %dma_wait3A_13 = arith.constant 0 : i32
    %dma_wait3A_14 = tpu.memref_slice %arg2[%dma_wait3A_12, %dma_wait3A_13] : memref<100000x64xf32, #tpu.memory_space<hbm>> -> memref<512x64xf32, #tpu.memory_space<hbm>>
    tpu.wait_dma2 semaphore(%arg7 : memref<!tpu.dma_semaphore, #tpu.memory_space<semaphore_mem>>) src(%dma_wait3A_14 : memref<512x64xf32, #tpu.memory_space<hbm>>) dst(%arg6 : memref<512x64xf32, #tpu.memory_space<vmem>>)
    "tpu.region"() ({
      %run_scoped3A = tpu.sem_alloc : memref<!tpu.dma_semaphore, #tpu.memory_space<semaphore_mem>>
      %dma_start3A = arith.constant 0 : i32
      %dma_start3A_15 = tpu.memref_slice %arg4[%mul3A_2, %dma_start3A] : memref<16384x64xf32, #tpu.memory_space<hbm>> -> memref<512x64xf32, #tpu.memory_space<hbm>>
      %dma_start3A_16 = arith.constant 0 : i32
      %dma_start3A_17 = tpu.memref_slice %arg4[%mul3A_2, %dma_start3A_16] : memref<16384x64xf32, #tpu.memory_space<hbm>> -> memref<512x64xf32, #tpu.memory_space<hbm>>
      tpu.enqueue_dma source(%arg6 : memref<512x64xf32, #tpu.memory_space<vmem>>) target(%dma_start3A_17 : memref<512x64xf32, #tpu.memory_space<hbm>>) target_semaphore(%run_scoped3A : memref<!tpu.dma_semaphore, #tpu.memory_space<semaphore_mem>>)
      %dma_wait3A_18 = arith.constant 0 : i32
      %dma_wait3A_19 = tpu.memref_slice %arg4[%mul3A_2, %dma_wait3A_18] : memref<16384x64xf32, #tpu.memory_space<hbm>> -> memref<512x64xf32, #tpu.memory_space<hbm>>
      %dma_wait3A_20 = arith.constant 0 : i32
      %dma_wait3A_21 = tpu.memref_slice %arg4[%mul3A_2, %dma_wait3A_20] : memref<16384x64xf32, #tpu.memory_space<hbm>> -> memref<512x64xf32, #tpu.memory_space<hbm>>
      tpu.wait_dma2 semaphore(%run_scoped3A : memref<!tpu.dma_semaphore, #tpu.memory_space<semaphore_mem>>) src(%arg6 : memref<512x64xf32, #tpu.memory_space<vmem>>) dst(%dma_wait3A_21 : memref<512x64xf32, #tpu.memory_space<hbm>>)
      tpu.yield
    }) : () -> ()
    return
  }
}

</mosaic_0001>

<sc_bundles>
// kernel: kernel.3.cloned.1.call-start
scs
__scs_entry_jumppad:
0x0: {  	(pc) =	sbr.rel $0x88, $3  }
0x1: {  	(tag) =	ssettag $0x0;
	lr =	simm.s32 $0x1  }
0x2: {  	[smem:$0x3F9F] =	sst lr;
	_ =	strace $0xD0000000  }
0x3: {  	_ = 	snop  }
0x4: {  	_ = 	snop  }
0x5: {  	_ = 	snop  }
0x6: {  	_ = 	snop  }
0x7: {  	_ = 	snop  }
__scs_overlays_trampoline_lowered:
0x8: {  	[smem:$0x3FAE] =	sst s0  }
0x9: {  	[smem:$0x3FAF] =	sst s1  }
0xa: {  	[smem:$0x3FB0] =	sst s2  }
0xb: {  	[smem:$0x3FB1] =	sst s3  }
0xc: {  	[smem:$0x3FB2] =	sst s4  }
0xd: {  	[smem:$0x3FB3] =	sst s5  }
0xe: {  	[smem:$0x3FB4] =	sst s6  }
0xf: {  	[smem:$0x3FB5] =	sst s7  }
0x10: {  	[smem:$0x3FB6] =	sst s8  }
0x11: {  	[smem:$0x3FB7] =	sst s9;
	s0 =	simm.s32 @!p0 $0x0  }
0x12: {  	s1 =	sld [smem:$0x3F9D];
	s0 =	simm.s32 @p0 $0x1  }
0x13: {  	[smem:$0x3FB8] =	sst s0;
	s0 =	simm.s32 @!p1 $0x0  }
0x14: {  	s2 =	sld [smem:$0x3F9C];
	s0 =	simm.s32 @p1 $0x1  }
0x15: {  	[smem:$0x3FB9] =	sst s0;
	s0 =	simm.s32 @!p2 $0x0  }
0x16: {  	s3 =	sld [smem:$0x3FDB];
	s0 =	simm.s32 @p2 $0x1  }
0x17: {  	s4 =	simm.s32 $0x1BF5;
	[smem:$0x3FBB] =	sst s0  }
0x18: {  	s0 =	sld [smem:$0x3F9E];
	_ =	swait.ge [sflag:s4], $0x0  }
0x19: {  	s7 =	sld [smem:$0x3F9F]  }
0x1a: {  	s8 =	sadd.s32 $0xFFFFE003, lr  }
0x1b: {  	s9 =	sadd.s32 $0xFFFFFEF7, lr;
	s5 =	simm.s32 $0xFFFFFFFF;
	p2 =	slt.u32 s8, $0xFFFFF086  }
0x1c: {  	p1 =	slt.u32 s9, $0xF7A;
	s5 =	simm.s32 @!p2 $0x0  }
0x1d: {  	s5 =	simm.s32 @p1 $0x1;
	p0 =	seq.s32 s7, s2  }
0x1e: {  	s7 =	smul.u32 @!p0 $0xF7A, s2;
	p2 =	seq.s32 @!p0 s5, $0x0  }
0x1f: {  	s9 =	smul.u32 $0xF7A, s1;
	s8 =	simm.s32 @!p0 $0x1BF5;
	p2 =	por !p2, p0  }
0x20: {  	[sflag:s8] =	ssyncset.s32 @!p0 $0xFFFFF086;
	s6 =	sadd.s32 @!p0 s3, s7;
	s7 =	simm.s32 @!p0 $0x108  }
0x21: {  	s3 =	sadd.s32 s3, s9;
	s6 =	sadd.s32 @!p0 $0x88, s6;
	s7 =	simm.s32 @p2 $0x1082  }
0x22: {  	[simem:s7], [sflag:s8] =	dma.local @!p0 [hbm:s6], $0xF7A  }
0x23: {  	s9 =	sor.u32 $0xD0000000, s2;
	s6 =	simm.s32 $0x108;
	_ =	swait.ge @!p0 [sflag:s8], $0x0  }
0x24: {  	s3 =	sadd.s32 $0x88, s3;
	s6 =	simm.s32 @!p1 $0x1082;
	[sflag:s4] =	ssyncset.s32 $0xFFFFF086  }
0x25: {  	[simem:s6], [sflag:s4] =	dma.local [hbm:s3], $0xF7A  }
0x26: {  	[smem:$0x3F9F] =	sst s1;
	(tag) =	ssettag s2;
	_ =	strace s9  }
0x27: {  	s1 =	sld [smem:$0x3FAF]  }
0x28: {  	s2 =	sld [smem:$0x3FB0]  }
0x29: {  	s4 =	sld [smem:$0x3FB2]  }
0x2a: {  	p0 =	seq.s32 s5, $0x0;
	s5 =	sld [smem:$0x3FB3]  }
0x2b: {  	s6 =	sld [smem:$0x3FB4]  }
0x2c: {  	s7 =	sld [smem:$0x3FB5]  }
0x2d: {  	s3 =	simm.s32 $0x108;
	s8 =	sld [smem:$0x3FB6]  }
0x2e: {  	s3 =	simm.s32 @!p0 $0x1082;
	s9 =	sld [smem:$0x3FB7]  }
0x2f: {  	lr =	sadd.s32 s0, s3;
	s0 =	sld [smem:$0x3FAE]  }
0x30: {  	s3 =	sld [smem:$0x3FB1]  }
0x31: {  	[smem:$0x3FBA] =	sst s10  }
0x32: {  	s10 =	sld [smem:$0x3FB8];
	_ =	sdelay $0x3  }
0x33: {  	p0 =	seq.s32 s10, $0x1;
	s10 =	sld [smem:$0x3FBA];
	_ =	sdelay $0x3  }
0x34: {  	[smem:$0x3FBA] =	sst s10  }
0x35: {  	s10 =	sld [smem:$0x3FB9];
	_ =	sdelay $0x3  }
0x36: {  	p1 =	seq.s32 s10, $0x1;
	s10 =	sld [smem:$0x3FBA];
	_ =	sdelay $0x3  }
0x37: {  	[smem:$0x3FBA] =	sst s10  }
0x38: {  	s10 =	sld [smem:$0x3FBB]  }
0x39: {  	_ = 	snop;
	(pc) =	sbr.ind lr, $3  }
0x3a: {  	_ = 	snop  }
0x3b: {  	_ = 	snop  }
0x3c: {  	p2 =	seq.s32 s10, $0x1;
	s10 =	sld [smem:$0x3FBA]  }
0x3d: {  	_ =	shalt  }
0x3e: {  	_ =	shalt  }
0x3f: {  	_ =	shalt  }
0x40: {  	_ =	shalt  }
0x41: {  	_ =	shalt  }
0x42: {  	_ =	shalt  }
0x43: {  	_ =	shalt  }
0x44: {  	_ =	shalt  }
0x45: {  	_ =	shalt  }
0x46: {  	_ =	shalt  }
0x47: {  	_ =	shalt  }
0x48: {  	_ =	shalt  }
0x49: {  	_ =	shalt  }
0x4a: {  	_ =	shalt  }
0x4b: {  	_ =	shalt  }
0x4c: {  	_ =	shalt  }
0x4d: {  	_ =	shalt  }
0x4e: {  	_ =	shalt  }
0x4f: {  	_ =	shalt  }
0x50: {  	_ =	shalt  }
0x51: {  	_ =	shalt  }
0x52: {  	_ =	shalt  }
0x53: {  	_ =	shalt  }
0x54: {  	_ =	shalt  }
0x55: {  	_ =	shalt  }
0x56: {  	_ =	shalt  }
0x57: {  	_ =	shalt  }
0x58: {  	_ =	shalt  }
0x59: {  	_ =	shalt  }
0x5a: {  	_ =	shalt  }
0x5b: {  	_ =	shalt  }
0x5c: {  	_ =	shalt  }
0x5d: {  	_ =	shalt  }
0x5e: {  	_ =	shalt  }
0x5f: {  	_ =	shalt  }
0x60: {  	_ =	shalt  }
0x61: {  	_ =	shalt  }
0x62: {  	_ =	shalt  }
0x63: {  	_ =	shalt  }
0x64: {  	_ =	shalt  }
0x65: {  	_ =	shalt  }
0x66: {  	_ =	shalt  }
0x67: {  	_ =	shalt  }
0x68: {  	_ =	shalt  }
0x69: {  	_ =	shalt  }
0x6a: {  	_ =	shalt  }
0x6b: {  	_ =	shalt  }
0x6c: {  	_ =	shalt  }
0x6d: {  	_ =	shalt  }
0x6e: {  	_ =	shalt  }
0x6f: {  	_ =	shalt  }
0x70: {  	_ =	shalt  }
0x71: {  	_ =	shalt  }
0x72: {  	_ =	shalt  }
0x73: {  	_ =	shalt  }
0x74: {  	_ =	shalt  }
0x75: {  	_ =	shalt  }
0x76: {  	_ =	shalt  }
0x77: {  	_ =	shalt  }
0x78: {  	_ =	shalt  }
0x79: {  	_ =	shalt  }
0x7a: {  	_ =	shalt  }
0x7b: {  	_ =	shalt  }
0x7c: {  	_ =	shalt  }
0x7d: {  	_ =	shalt  }
0x7e: {  	_ =	shalt  }
0x7f: {  	_ =	shalt  }
0x80: {  	_ =	shalt  }
0x81: {  	_ =	shalt  }
0x82: {  	_ =	shalt  }
0x83: {  	_ =	shalt  }
0x84: {  	_ =	shalt  }
0x85: {  	_ =	shalt  }
0x86: {  	_ =	shalt  }
0x87: {  	_ =	shalt  }
.Lfunc_end0:
.L_simem_size_0:
called_computation_lowered:
.L_overlay_start_0:
0x88: {  	s2 =	sld [smem:$0x3FD9]  }
0x89: {  	s3 =	sld [smem:$0x3FFE];
	_ =	sdelay $0x1  }
0x8a: {  	s1 =	srdreg.scid  }
0x8b: {  	s0 =	sand.u32 $0x1, s1  }
0x8c: {  	s16 =	sshll.u32 s0, $0xA;
	s2 =	sadd.s32 s3, s2  }
0x8d: {  	s2 =	sadd.s32 s2, s16  }
0x8e: {  	[smem:$0x3FC6] =	sst s2  }
0x8f: {  	_ = 	snop  }
0x90: {  	(tm) =	ssettm $0x1  }
0x91: {  	s17 =	sld [smem:$0x3FFB];
	_ =	sdelay $0x3  }
0x92: {  	_ =	strace s17  }
0x93: {  	s2 =	sld [smem:$0x3FFC];
	_ =	sdelay $0x3  }
0x94: {  	_ =	strace s2  }
0x95: {  	s2 =	sld [smem:$0x3FFD];
	_ =	sdelay $0x3  }
0x96: {  	_ =	strace s2  }
0x97: {  	_ =	strace $0x8FFFFFFF  }
0x98: {  	s18 =	sld [smem:$0x3FDB];
	_ =	sdelay $0x1  }
0x99: {  	s19 =	simm.s32 $_scs_section_size  }
0x9a: {  	s4 =	simm.s32 $_size__tile_overlayer_lowered;
	s5 =	simm.s32 $_tile_overlayer_lowered  }
0x9b: {  	s22 =	simm.s32 $0x1BFF;
	s21 =	sshll.u32 s5, $0x1;
	s2 =	sadd.s32 s19, s18  }
0x9c: {  	s6 =	simm.s32 $0x0;
	s20 =	sshll.u32 s4, $0x1;
	s4 =	sadd.s32 s21, s2  }
0x9d: {  	[timem:s6], [sflag:s22] =	dma.local [hbm:s4], s20  }
0x9e: {  	_ =	swait.ge [sflag:s22], s20  }
0x9f: {  	s3 =	ssub.s32 $0x0, s20;
	[sflag:s22] =	ssyncset.done $0x0  }
0xa0: {  	[sflag:s22] =	ssyncadd.s32 s3;
	_ =	sdelay $0x1  }
0xa1: {  	s23 =	simm.s32 $0x1B8B  }
0xa2: {  	_ =	swait.ge [sflag:s23], $0x1  }
0xa3: {  	[sflag:s23] =	ssyncset.done $0x0  }
0xa4: {  	s25 =	simm.s32 $0x1B8E;
	s24 =	sld [smem:$0x3FFE];
	[sflag:s23] =	ssyncadd.s32 $0xFFFFFFFF  }
0xa5: {  	s26 =	simm.s32 $execute0_lowered;
	[smem:$0x3FD2] =	sst s25  }
0xa6: {  	s4 =	sshll.u32 s26, $0x1;
	_ =	strace $0x80000046;
	[dreg:$0x1] =	wrdreg $0xFFFFFFFF  }
0xa7: {  	s28 =	simm.s32 $_size_execute0_lowered;
	s2 =	sadd.s32 s2, s4;
	[dreg:$0x0] =	wrdreg $0x0  }
0xa8: {  	s4 =	sshll.u32 s28, $0x1;
	[dreg:$0x2] =	wrdreg s2  }
0xa9: {  	[dreg:$0x3] =	wrdreg s4  }
0xaa: {  	[dreg:$0x4] =	wrdreg $0xC0  }
0xab: {  	_ =	task [dreg:s6], $0x5FFFF  }
0xac: {  	[dreg:$0x1] =	wrdreg $0xFFFFFFFF  }
0xad: {  	[dreg:$0x0] =	wrdreg $0x60  }
0xae: {  	[dreg:$0x2] =	wrdreg s24  }
0xaf: {  	[dreg:$0x3] =	wrdreg $0x9  }
0xb0: {  	_ =	task.clear_ibuf [dreg:s6], $0x4FFFF;
	_ =	strace $0x90000046  }
0xb1: {  	s29 =	simm.s32 $0x9;
	_ =	strace $0x80000048  }
0xb2: {  	_ =	swait.ge [sflag:s29], $0x1  }
0xb3: {  	[sflag:s29] =	ssyncadd.s32 $0xFFFFFFFF  }
0xb4: {  	_ =	strace $0x90000048  }
0xb5: {  	_ =	sfence  }
0xb6: {  	s30 =	sld [smem:$0x0];
	_ =	sdelay $0x2  }
0xb7: {  	s31 =	sshll.u32 s1, $0xD;
	s1 =	sshrl.u32 s1, $0x2  }
0xb8: {  	s3 =	sand.u32 $0x4000, s31;
	s1 =	sadd.s32 s1, s30  }
0xb9: {  	s0 =	sor.u32 s3, s0;
	s1 =	sshll.u32 s1, $0x11  }
0xba: {  	s0 =	sor.u32 s1, s0  }
0xbb: {  	s0 =	sadd.s32 $0x8F2B, s0  }
0xbc: {  	[sflag:s0] =	ssyncadd.remote.s32 $0x1  }
0xbd: {  	_ =	sfence.sel $0xFFFF  }
0xbe: {  	[dreg:$0x0] =	wrdreg $0xFFFFFFFF;
	(pc) =	sbr.abs _section_cstart, $3  }
0xbf: {  	[dreg:$0x1] =	wrdreg $0xFFFFFFFF  }
0xc0: {  	_ =	task.clear_ibuf [dreg:s6], $0x2FFFF;
	_ =	strace $0x9FFFFFFF  }
0xc1: {  	(tm) =	ssettm $0x7FFFFFFF  }
tec
execute0_lowered:
.L_overlay_start_1:
0x0: {  	(tag) =	ssettag $0x1  }
0x1: {  	s6 =	rddreg [dreg:$0x0];
	s3 =	srdreg.scid;
	s2 =	simm.s32 $0x0  }
0x2: {  	s0 =	stileid.u32;
	s11 =	simm.s32 $0x0;
	s4 =	sand.u32 $0x1, s3  }
0x3: {  	s29 =	sshll.u32 s0, $0xA;
	s5 =	sshll.u32 s4, $0x9;
	s7 =	ssub.s32 $0x2, s4  }
0x4: {  	[smem:$0x7FF] =	sst s2;
	s3 =	sor.u32 s5, s29;
	s9 =	sshrl.u32 s7, $0x1  }
0x5: {  	s4 =	sadd.s32 $0x40400, s6;
	s8 =	sshll.u32 s3, $0x4;
	s7 =	ssub.s32 s7, s9  }
0x6: {  	s5 =	sadd.s32 $0x400, s6;
	s6 =	sadd.s32 s8, s6;
	s31 =	smax.u32 s7, $0x1  }
0x7: {  	v0 =	vlaneseq.u32;
	_ =	strace $0x80000047;
	s30 =	sadd.s32 $0x1C6E00, s6;
	[dreg:$0x3] =	wrdreg s31  }
0x8: {  	v0 =	vmul.u32 $0x80, v0;
	s9 =	simm.s32 $0x1;
	s8 =	simm.s32 $0x2;
	[dreg:$0x2] =	wrdreg s30  }
.LBB2_1:
0x9: {  	s12 =	simm.s32 $0x4000;
	s13 =	simm.s32 $0x0  }
.LBB2_2:
0xa: {  	s14 =	sshll.u32 s13, $0x7;
	s16 =	simm.s32 $0x0  }
0xb: {  	s14 =	sadd.s32 s3, s14;
	v1 =	vmov s16  }
0xc: {  	s14 =	sshll.u32 s14, $0x4;
	v1 =	vshll.u32 v1, $0x7  }
0xd: {  	s14 =	sadd.s32 s5, s14;
	v1 =	vor.u32 v0, v1  }
0xe: {  	[tilespmem:s16], [sflag:$0x2] =	stream.linear.gather [hbm4b:s14+s16], $0x4000, $0x38;
	[tilespmem:$0x14000] =	vst v63  }
0xf: {  	_ =	swait.ge [sflag:s8], $0x4000  }
0x10: {  	[sflag:s8] =	ssyncset.done $0x0  }
0x11: {  	[sflag:s8] =	ssyncadd.s32 $0xFFFFC000  }
0x12: {  	v1 =	vld.idx.msk [tilespmem:v1+s2+$0x0], $0xffff;
	_ =	sdelay $0x4  }
0x13: {  	v3 =	vshll.u32 v1, $0x4  }
0x14: {  	(v2sf) =	vpush v3, $0x0  }
0x15: {  	(v2sf) =	vpush v3, $0x2  }
0x16: {  	(v2sf) =	vpush v3, $0x1  }
0x17: {  	s31 =	simm.s32 $0x10;
	s17 =	simm.s32 $0x20  }
0x18: {  	v2 =	vmov s17;
	v1 =	vmov s31;
	(v2sf) =	vpush v3, $0x3  }
0x19: {  	v4 =	vshll.u32 v2, $0x7;
	v1 =	vshll.u32 v1, $0x7;
	(v2sf) =	vpush v3, $0x4  }
0x1a: {  	s15 =	simm.s32 $0x2000;
	s18 =	simm.s32 $0x6000;
	s14 =	simm.s32 $0x4000;
	v2 =	vor.u32 v0, v1;
	v1 =	vor.u32 v0, v4  }
.LBB2_3:
0x1b: {  	_ =	sdelay $0x1  }
0x1c: {  	p0 =	sne.s32 s18, $0xE000;
	(v2sf) =	vpush v3, $0x5;
	s20 =	smov.u32 s18;
	s18 =	sadd.s32 $0x2000, s18  }
0x1d: {  	s19 =	sshra.s32 s16, $0x2;
	s16 =	smov.u32 s15;
	s15 =	smov.u32 s14  }
0x1e: {  	s19 =	sadd.s32 s19, s12;
	s14 =	smov.u32 s20;
	(v2sf) =	vpush v3, $0x6  }
0x1f: {  	s28 =	sadd.s32 $0x80, s19  }
0x20: {  	s22 =	sadd.s32 $0x580, s19;
	s21 =	sadd.s32 $0x600, s19;
	s20 =	sadd.s32 $0x680, s19;
	(v2sf) =	vpush v3, $0x7  }
0x21: {  	s25 =	sadd.s32 $0x400, s19;
	s24 =	sadd.s32 $0x480, s19;
	s23 =	sadd.s32 $0x500, s19  }
0x22: {  	s29 =	sadd.s32 $0x300, s19;
	s26 =	sadd.s32 $0x380, s19;
	s30 =	spop (v2sf);
	(v2sf) =	vpush v3, $0x8  }
0x23: {  	s31 =	sadd.s32 $0x100, s19;
	s30 =	sand.u32 $0x1FFFFFF0, s30;
	s0 =	spop (v2sf)  }
0x24: {  	s1 =	sadd.s32 $0x280, s19;
	s30 =	sadd.s32 s4, s30;
	s10 =	spop (v2sf);
	(v2sf) =	vpush v3, $0x9  }
0x25: {  	[tilespmem:s19], [sflag:$0x1] =	stream.linear.gather [hbm4b:s30+s2], $0x80, $0x38;
	[tilespmem:$0x14000] =	vst v63  }
0x26: {  	s0 =	sand.u32 $0x1FFFFFF0, s0;
	s10 =	sand.u32 $0x1FFFFFF0, s10;
	s30 =	spop (v2sf);
	(v2sf) =	vpush v3, $0xA  }
0x27: {  	s6 =	sadd.s32 $0x200, s19;
	s10 =	sadd.s32 s4, s10;
	s7 =	spop (v2sf)  }
0x28: {  	[tilespmem:s28], [sflag:$0x1] =	stream.linear.gather [hbm4b:s10+s2], $0x80, $0x38;
	(v2sf) =	vpush v3, $0xB;
	[tilespmem:$0x14000] =	vst v63  }
0x29: {  	s0 =	sadd.s32 s4, s0;
	s10 =	sand.u32 $0x1FFFFFF0, s30;
	s7 =	sand.u32 $0x1FFFFFF0, s7  }
0x2a: {  	[tilespmem:s31], [sflag:$0x1] =	stream.linear.gather [hbm4b:s0+s2], $0x80, $0x38;
	(v2sf) =	vpush v3, $0xC;
	[tilespmem:$0x14000] =	vst v63  }
0x2b: {  	s10 =	sadd.s32 s4, s10;
	s0 =	sadd.s32 $0x180, s19;
	s28 =	spop (v2sf)  }
0x2c: {  	[tilespmem:s0], [sflag:$0x1] =	stream.linear.gather [hbm4b:s10+s2], $0x80, $0x38;
	(v2sf) =	vpush v3, $0xD;
	[tilespmem:$0x14000] =	vst v63  }
0x2d: {  	s0 =	sadd.s32 s4, s7;
	s7 =	sand.u32 $0x1FFFFFF0, s28;
	s10 =	spop (v2sf)  }
0x2e: {  	[tilespmem:s6], [sflag:$0x1] =	stream.linear.gather [hbm4b:s0+s2], $0x80, $0x38;
	(v2sf) =	vpush v3, $0xE;
	[tilespmem:$0x14000] =	vst v63  }
0x2f: {  	s0 =	sadd.s32 s4, s7;
	s6 =	sand.u32 $0x1FFFFFF0, s10;
	s7 =	spop (v2sf)  }
0x30: {  	[tilespmem:s1], [sflag:$0x1] =	stream.linear.gather [hbm4b:s0+s2], $0x80, $0x38;
	(v2sf) =	vpush v3, $0xF;
	[tilespmem:$0x14000] =	vst v63  }
0x31: {  	s0 =	sadd.s32 s4, s6;
	s1 =	sand.u32 $0x1FFFFFF0, s7;
	s6 =	spop (v2sf)  }
0x32: {  	[tilespmem:s29], [sflag:$0x1] =	stream.linear.gather [hbm4b:s0+s2], $0x80, $0x38;
	[tilespmem:$0x14000] =	vst v63  }
0x33: {  	s0 =	sadd.s32 s4, s1;
	s1 =	sand.u32 $0x1FFFFFF0, s6;
	s6 =	spop (v2sf)  }
0x34: {  	[tilespmem:s26], [sflag:$0x1] =	stream.linear.gather [hbm4b:s0+s2], $0x80, $0x38;
	[tilespmem:$0x14000] =	vst v63  }
0x35: {  	s0 =	sadd.s32 s4, s1;
	s1 =	sand.u32 $0x1FFFFFF0, s6;
	s6 =	spop (v2sf)  }
0x36: {  	[tilespmem:s25], [sflag:$0x1] =	stream.linear.gather [hbm4b:s0+s2], $0x80, $0x38;
	[tilespmem:$0x14000] =	vst v63  }
0x37: {  	s0 =	sadd.s32 s4, s1;
	s1 =	sand.u32 $0x1FFFFFF0, s6;
	s6 =	spop (v2sf)  }
0x38: {  	[tilespmem:s24], [sflag:$0x1] =	stream.linear.gather [hbm4b:s0+s2], $0x80, $0x38;
	[tilespmem:$0x14000] =	vst v63  }
0x39: {  	s0 =	sadd.s32 s4, s1;
	s1 =	sand.u32 $0x1FFFFFF0, s6;
	s6 =	spop (v2sf)  }
0x3a: {  	[tilespmem:s23], [sflag:$0x1] =	stream.linear.gather [hbm4b:s0+s2], $0x80, $0x38;
	[tilespmem:$0x14000] =	vst v63  }
0x3b: {  	s0 =	sadd.s32 s4, s1;
	s1 =	sand.u32 $0x1FFFFFF0, s6;
	s6 =	spop (v2sf)  }
0x3c: {  	[tilespmem:s22], [sflag:$0x1] =	stream.linear.gather [hbm4b:s0+s2], $0x80, $0x38;
	[tilespmem:$0x14000] =	vst v63  }
0x3d: {  	s0 =	sadd.s32 s4, s1;
	s1 =	sand.u32 $0x1FFFFFF0, s6;
	s6 =	spop (v2sf)  }
0x3e: {  	[tilespmem:s21], [sflag:$0x1] =	stream.linear.gather [hbm4b:s0+s2], $0x80, $0x38;
	[tilespmem:$0x14000] =	vst v63  }
0x3f: {  	s0 =	sadd.s32 s4, s1;
	s1 =	sand.u32 $0x1FFFFFF0, s6;
	s6 =	spop (v2sf)  }
0x40: {  	[tilespmem:s20], [sflag:$0x1] =	stream.linear.gather [hbm4b:s0+s2], $0x80, $0x38;
	[tilespmem:$0x14000] =	vst v63  }
0x41: {  	s1 =	sadd.s32 s4, s1;
	s0 =	sadd.s32 $0x700, s19;
	s6 =	sand.u32 $0x1FFFFFF0, s6  }
0x42: {  	[tilespmem:s0], [sflag:$0x1] =	stream.linear.gather [hbm4b:s1+s2], $0x80, $0x38;
	[tilespmem:$0x14000] =	vst v63  }
0x43: {  	s0 =	sadd.s32 $0x780, s19;
	s1 =	sadd.s32 s4, s6  }
0x44: {  	[tilespmem:s0], [sflag:$0x1] =	stream.linear.gather [hbm4b:s1+s2], $0x80, $0x38;
	[tilespmem:$0x14000] =	vst v63  }
0x45: {  	v3 =	vld.idx.msk [tilespmem:v2+s2+$0x0], $0xffff;
	v2 =	vmov v1;
	_ =	sdelay $0x5  }
0x46: {  	v3 =	vshll.u32 v3, $0x4  }
0x47: {  	(v2sf) =	vpush v3, $0x0  }
0x48: {  	(v2sf) =	vpush v3, $0x2  }
.Ltmp0:
0x49: {  	(v2sf) =	vpush v3, $0x1;
	(pc) =	sbr.rel @p0 .LBB2_3-.Ltmp0, $4  }
0x4a: {  	s17 =	sadd.s32 $0x10, s17  }
0x4b: {  	v1 =	vmov s17;
	(v2sf) =	vpush v3, $0x3  }
0x4c: {  	v1 =	vshll.u32 v1, $0x7;
	(v2sf) =	vpush v3, $0x4  }
0x4d: {  	v1 =	vor.u32 v0, v1  }
0x4e: {  	_ =	sdelay $0x1  }
0x4f: {  	(v2sf) =	vpush v3, $0x5  }
0x50: {  	s0 =	sshra.s32 s16, $0x2  }
0x51: {  	s16 =	sadd.s32 s0, s12;
	(v2sf) =	vpush v3, $0x6  }
0x52: {  	s0 =	sadd.s32 $0x80, s16  }
0x53: {  	s19 =	sadd.s32 $0x580, s16;
	s18 =	sadd.s32 $0x600, s16;
	s17 =	sadd.s32 $0x680, s16;
	(v2sf) =	vpush v3, $0x7  }
0x54: {  	s1 =	sadd.s32 $0x400, s16;
	s6 =	sadd.s32 $0x480, s16;
	s7 =	sadd.s32 $0x500, s16  }
0x55: {  	s10 =	sadd.s32 $0x300, s16;
	s20 =	sadd.s32 $0x380, s16;
	s21 =	spop (v2sf);
	(v2sf) =	vpush v3, $0x8  }
0x56: {  	s22 =	sadd.s32 $0x100, s16;
	s21 =	sand.u32 $0x1FFFFFF0, s21;
	s23 =	spop (v2sf)  }
0x57: {  	s24 =	sadd.s32 $0x280, s16;
	s21 =	sadd.s32 s4, s21;
	s25 =	spop (v2sf);
	(v2sf) =	vpush v3, $0x9  }
0x58: {  	[tilespmem:s16], [sflag:$0x1] =	stream.linear.gather [hbm4b:s21+s2], $0x80, $0x38;
	[tilespmem:$0x14000] =	vst v63  }
0x59: {  	s26 =	sadd.s32 $0x200, s16;
	s30 =	sand.u32 $0x1FFFFFF0, s25;
	s31 =	spop (v2sf);
	(v2sf) =	vpush v3, $0xA  }
0x5a: {  	s23 =	sand.u32 $0x1FFFFFF0, s23;
	s21 =	sadd.s32 s4, s30;
	s28 =	spop (v2sf)  }
0x5b: {  	[tilespmem:s0], [sflag:$0x1] =	stream.linear.gather [hbm4b:s21+s2], $0x80, $0x38;
	(v2sf) =	vpush v3, $0xB;
	[tilespmem:$0x14000] =	vst v63  }
0x5c: {  	s29 =	sadd.s32 s4, s23;
	s25 =	sadd.s32 $0x180, s16;
	s30 =	sand.u32 $0x1FFFFFF0, s31  }
0x5d: {  	(v2sf) =	vpush v3, $0xC;
	[tilespmem:s22], [sflag:$0x1] =	stream.linear.gather [hbm4b:s29+s2], $0x80, $0x38;
	[tilespmem:$0x14000] =	vst v63  }
0x5e: {  	s31 =	sand.u32 $0x1FFFFFF0, s28;
	s21 =	sadd.s32 s4, s30;
	s28 =	spop (v2sf)  }
0x5f: {  	(v2sf) =	vpush v3, $0xD;
	[tilespmem:s25], [sflag:$0x1] =	stream.linear.gather [hbm4b:s21+s2], $0x80, $0x38;
	[tilespmem:$0x14000] =	vst v63  }
0x60: {  	s29 =	sadd.s32 s4, s31;
	s30 =	sand.u32 $0x1FFFFFF0, s28;
	s31 =	spop (v2sf)  }
0x61: {  	(v2sf) =	vpush v3, $0xE;
	[tilespmem:s26], [sflag:$0x1] =	stream.linear.gather [hbm4b:s29+s2], $0x80, $0x38;
	[tilespmem:$0x14000] =	vst v63  }
0x62: {  	s21 =	sadd.s32 s4, s30;
	s22 =	sand.u32 $0x1FFFFFF0, s31;
	s23 =	spop (v2sf)  }
0x63: {  	(v2sf) =	vpush v3, $0xF;
	[tilespmem:s24], [sflag:$0x1] =	stream.linear.gather [hbm4b:s21+s2], $0x80, $0x38;
	[tilespmem:$0x14000] =	vst v63  }
0x64: {  	s25 =	sadd.s32 s4, s22;
	s26 =	sand.u32 $0x1FFFFFF0, s23;
	s28 =	spop (v2sf)  }
0x65: {  	[tilespmem:s10], [sflag:$0x1] =	stream.linear.gather [hbm4b:s25+s2], $0x80, $0x38;
	[tilespmem:$0x14000] =	vst v63  }
0x66: {  	s29 =	sadd.s32 s4, s26;
	s30 =	sand.u32 $0x1FFFFFF0, s28;
	s31 =	spop (v2sf)  }
0x67: {  	[tilespmem:s20], [sflag:$0x1] =	stream.linear.gather [hbm4b:s29+s2], $0x80, $0x38;
	[tilespmem:$0x14000] =	vst v63  }
0x68: {  	s10 =	sadd.s32 s4, s30;
	s20 =	sand.u32 $0x1FFFFFF0, s31;
	s21 =	spop (v2sf)  }
0x69: {  	[tilespmem:s1], [sflag:$0x1] =	stream.linear.gather [hbm4b:s10+s2], $0x80, $0x38;
	[tilespmem:$0x14000] =	vst v63  }
0x6a: {  	s22 =	sadd.s32 s4, s20;
	s23 =	sand.u32 $0x1FFFFFF0, s21;
	s24 =	spop (v2sf)  }
0x6b: {  	[tilespmem:s6], [sflag:$0x1] =	stream.linear.gather [hbm4b:s22+s2], $0x80, $0x38;
	[tilespmem:$0x14000] =	vst v63  }
0x6c: {  	s25 =	sadd.s32 s4, s23;
	s26 =	sand.u32 $0x1FFFFFF0, s24;
	s28 =	spop (v2sf)  }
0x6d: {  	[tilespmem:s7], [sflag:$0x1] =	stream.linear.gather [hbm4b:s25+s2], $0x80, $0x38;
	[tilespmem:$0x14000] =	vst v63  }
0x6e: {  	s29 =	sadd.s32 s4, s26;
	s30 =	sand.u32 $0x1FFFFFF0, s28;
	s31 =	spop (v2sf)  }
0x6f: {  	[tilespmem:s19], [sflag:$0x1] =	stream.linear.gather [hbm4b:s29+s2], $0x80, $0x38;
	[tilespmem:$0x14000] =	vst v63  }
0x70: {  	s1 =	sadd.s32 s4, s30;
	s7 =	sand.u32 $0x1FFFFFF0, s31;
	s10 =	spop (v2sf)  }
0x71: {  	[tilespmem:s18], [sflag:$0x1] =	stream.linear.gather [hbm4b:s1+s2], $0x80, $0x38;
	[tilespmem:$0x14000] =	vst v63  }
0x72: {  	s20 =	spop (v2sf);
	s19 =	sand.u32 $0x1FFFFFF0, s10;
	s18 =	sadd.s32 s4, s7  }
0x73: {  	[tilespmem:s17], [sflag:$0x1] =	stream.linear.gather [hbm4b:s18+s2], $0x80, $0x38;
	[tilespmem:$0x14000] =	vst v63  }
0x74: {  	s21 =	sadd.s32 $0x700, s16;
	s6 =	sand.u32 $0x1FFFFFF0, s20;
	s1 =	sadd.s32 s4, s19  }
0x75: {  	[tilespmem:s21], [sflag:$0x1] =	stream.linear.gather [hbm4b:s1+s2], $0x80, $0x38;
	[tilespmem:$0x14000] =	vst v63  }
0x76: {  	s22 =	sadd.s32 $0x780, s16;
	s23 =	sadd.s32 s4, s6  }
0x77: {  	[tilespmem:s22], [sflag:$0x1] =	stream.linear.gather [hbm4b:s23+s2], $0x80, $0x38;
	[tilespmem:$0x14000] =	vst v63  }
0x78: {  	v2 =	vld.idx.msk [tilespmem:v2+s2+$0x0], $0xffff;
	_ =	sdelay $0x4  }
0x79: {  	v2 =	vshll.u32 v2, $0x4  }
0x7a: {  	(v2sf) =	vpush v2, $0x0  }
0x7b: {  	(v2sf) =	vpush v2, $0x2  }
0x7c: {  	(v2sf) =	vpush v2, $0x1;
	_ =	sdelay $0x2  }
0x7d: {  	(v2sf) =	vpush v2, $0x3;
	_ =	sdelay $0x1  }
0x7e: {  	(v2sf) =	vpush v2, $0x4;
	_ =	sdelay $0x1  }
0x7f: {  	(v2sf) =	vpush v2, $0x5  }
0x80: {  	s24 =	sshra.s32 s15, $0x2  }
0x81: {  	s15 =	sadd.s32 s24, s12;
	(v2sf) =	vpush v2, $0x6  }
0x82: {  	s0 =	sadd.s32 $0x80, s15  }
0x83: {  	s16 =	sadd.s32 $0x680, s15;
	s10 =	sadd.s32 $0x300, s15;
	s6 =	sadd.s32 $0x480, s15;
	(v2sf) =	vpush v2, $0x7  }
0x84: {  	s7 =	sadd.s32 $0x500, s15;
	s19 =	sadd.s32 $0x380, s15;
	s18 =	sadd.s32 $0x580, s15  }
0x85: {  	s17 =	sadd.s32 $0x600, s15;
	s1 =	sadd.s32 $0x400, s15;
	s25 =	spop (v2sf);
	(v2sf) =	vpush v2, $0x8  }
0x86: {  	s21 =	sadd.s32 $0x100, s15;
	s20 =	sand.u32 $0x1FFFFFF0, s25;
	s26 =	spop (v2sf)  }
0x87: {  	s23 =	sadd.s32 $0x280, s15;
	(v2sf) =	vpush v2, $0x9;
	s20 =	sadd.s32 s4, s20;
	s28 =	spop (v2sf)  }
0x88: {  	[tilespmem:s15], [sflag:$0x1] =	stream.linear.gather [hbm4b:s20+s2], $0x80, $0x38;
	[tilespmem:$0x14000] =	vst v63  }
0x89: {  	s25 =	sadd.s32 $0x200, s15;
	s22 =	sand.u32 $0x1FFFFFF0, s26;
	(v2sf) =	vpush v2, $0xA;
	s29 =	sand.u32 $0x1FFFFFF0, s28  }
0x8a: {  	s30 =	spop (v2sf);
	s22 =	sadd.s32 s4, s22;
	s20 =	sadd.s32 s4, s29  }
0x8b: {  	(v2sf) =	vpush v2, $0xB;
	[tilespmem:s0], [sflag:$0x1] =	stream.linear.gather [hbm4b:s20+s2], $0x80, $0x38;
	[tilespmem:$0x14000] =	vst v63  }
0x8c: {  	s31 =	spop (v2sf);
	s28 =	sand.u32 $0x1FFFFFF0, s30;
	s30 =	sadd.s32 $0x180, s15  }
0x8d: {  	(v2sf) =	vpush v2, $0xC;
	[tilespmem:s21], [sflag:$0x1] =	stream.linear.gather [hbm4b:s22+s2], $0x80, $0x38;
	[tilespmem:$0x14000] =	vst v63  }
0x8e: {  	s29 =	sand.u32 $0x1FFFFFF0, s31;
	s20 =	sadd.s32 s4, s28;
	s31 =	spop (v2sf)  }
0x8f: {  	(v2sf) =	vpush v2, $0xD;
	[tilespmem:s30], [sflag:$0x1] =	stream.linear.gather [hbm4b:s20+s2], $0x80, $0x38;
	[tilespmem:$0x14000] =	vst v63  }
0x90: {  	s24 =	spop (v2sf);
	s22 =	sand.u32 $0x1FFFFFF0, s31;
	s20 =	sadd.s32 s4, s29  }
0x91: {  	(v2sf) =	vpush v2, $0xE;
	[tilespmem:s25], [sflag:$0x1] =	stream.linear.gather [hbm4b:s20+s2], $0x80, $0x38;
	[tilespmem:$0x14000] =	vst v63  }
0x92: {  	s26 =	sand.u32 $0x1FFFFFF0, s24;
	s28 =	spop (v2sf);
	s25 =	sadd.s32 s4, s22  }
0x93: {  	(v2sf) =	vpush v2, $0xF;
	[tilespmem:s23], [sflag:$0x1] =	stream.linear.gather [hbm4b:s25+s2], $0x80, $0x38;
	[tilespmem:$0x14000] =	vst v63  }
0x94: {  	s29 =	sadd.s32 s4, s26;
	s30 =	sand.u32 $0x1FFFFFF0, s28;
	s31 =	spop (v2sf)  }
0x95: {  	[tilespmem:s10], [sflag:$0x1] =	stream.linear.gather [hbm4b:s29+s2], $0x80, $0x38;
	[tilespmem:$0x14000] =	vst v63  }
0x96: {  	s10 =	sadd.s32 s4, s30;
	s20 =	sand.u32 $0x1FFFFFF0, s31;
	s21 =	spop (v2sf)  }
0x97: {  	[tilespmem:s19], [sflag:$0x1] =	stream.linear.gather [hbm4b:s10+s2], $0x80, $0x38;
	[tilespmem:$0x14000] =	vst v63  }
0x98: {  	s22 =	sadd.s32 s4, s20;
	s23 =	sand.u32 $0x1FFFFFF0, s21;
	s24 =	spop (v2sf)  }
0x99: {  	[tilespmem:s1], [sflag:$0x1] =	stream.linear.gather [hbm4b:s22+s2], $0x80, $0x38;
	[tilespmem:$0x14000] =	vst v63  }
0x9a: {  	s25 =	sadd.s32 s4, s23;
	s26 =	sand.u32 $0x1FFFFFF0, s24;
	s28 =	spop (v2sf)  }
0x9b: {  	[tilespmem:s6], [sflag:$0x1] =	stream.linear.gather [hbm4b:s25+s2], $0x80, $0x38;
	[tilespmem:$0x14000] =	vst v63  }
0x9c: {  	s29 =	sadd.s32 s4, s26;
	s30 =	sand.u32 $0x1FFFFFF0, s28;
	s31 =	spop (v2sf)  }
0x9d: {  	[tilespmem:s7], [sflag:$0x1] =	stream.linear.gather [hbm4b:s29+s2], $0x80, $0x38;
	[tilespmem:$0x14000] =	vst v63  }
0x9e: {  	s1 =	sadd.s32 s4, s30;
	s10 =	spop (v2sf);
	s7 =	sand.u32 $0x1FFFFFF0, s31  }
0x9f: {  	[tilespmem:s18], [sflag:$0x1] =	stream.linear.gather [hbm4b:s1+s2], $0x80, $0x38;
	[tilespmem:$0x14000] =	vst v63  }
0xa0: {  	s20 =	sand.u32 $0x1FFFFFF0, s10;
	s21 =	spop (v2sf);
	s19 =	sadd.s32 s4, s7  }
0xa1: {  	[tilespmem:s17], [sflag:$0x1] =	stream.linear.gather [hbm4b:s19+s2], $0x80, $0x38;
	[tilespmem:$0x14000] =	vst v63  }
0xa2: {  	s22 =	sadd.s32 s4, s20;
	s23 =	sand.u32 $0x1FFFFFF0, s21;
	s24 =	spop (v2sf)  }
0xa3: {  	[tilespmem:s16], [sflag:$0x1] =	stream.linear.gather [hbm4b:s22+s2], $0x80, $0x38;
	[tilespmem:$0x14000] =	vst v63  }
0xa4: {  	s25 =	sadd.s32 $0x700, s15;
	s6 =	sand.u32 $0x1FFFFFF0, s24;
	s1 =	sadd.s32 s4, s23  }
0xa5: {  	[tilespmem:s25], [sflag:$0x1] =	stream.linear.gather [hbm4b:s1+s2], $0x80, $0x38;
	[tilespmem:$0x14000] =	vst v63  }
0xa6: {  	s26 =	sadd.s32 $0x780, s15;
	s28 =	sadd.s32 s4, s6  }
0xa7: {  	[tilespmem:s26], [sflag:$0x1] =	stream.linear.gather [hbm4b:s28+s2], $0x80, $0x38;
	[tilespmem:$0x14000] =	vst v63  }
0xa8: {  	v1 =	vld.idx.msk [tilespmem:v1+s2+$0x0], $0xffff;
	_ =	sdelay $0x4  }
0xa9: {  	v1 =	vshll.u32 v1, $0x4  }
0xaa: {  	(v2sf) =	vpush v1, $0x0  }
0xab: {  	(v2sf) =	vpush v1, $0x2  }
0xac: {  	(v2sf) =	vpush v1, $0x1;
	_ =	sdelay $0x1  }
0xad: {  	(v2sf) =	vpush v1, $0x3  }
0xae: {  	(v2sf) =	vpush v1, $0x4;
	_ =	sdelay $0x3  }
0xaf: {  	(v2sf) =	vpush v1, $0x5;
	_ =	sdelay $0x1  }
0xb0: {  	s29 =	sshra.s32 s14, $0x2;
	(v2sf) =	vpush v1, $0x6  }
0xb1: {  	s13 =	sadd.s32 $0x1, s13;
	s14 =	sadd.s32 s29, s12  }
0xb2: {  	p0 =	sne.s32 s13, $0x4;
	s0 =	sadd.s32 $0x80, s14;
	s6 =	sadd.s32 $0x480, s14;
	(v2sf) =	vpush v1, $0x7  }
0xb3: {  	s7 =	sadd.s32 $0x500, s14;
	s10 =	sadd.s32 $0x300, s14;
	s18 =	sadd.s32 $0x380, s14  }
0xb4: {  	s20 =	sadd.s32 $0x100, s14;
	s17 =	sadd.s32 $0x580, s14;
	s30 =	spop (v2sf);
	(v2sf) =	vpush v1, $0x8  }
0xb5: {  	s22 =	sadd.s32 $0x280, s14;
	s19 =	sand.u32 $0x1FFFFFF0, s30;
	s31 =	spop (v2sf)  }
0xb6: {  	s1 =	sadd.s32 $0x400, s14;
	(v2sf) =	vpush v1, $0x9;
	s19 =	sadd.s32 s4, s19;
	s24 =	spop (v2sf)  }
0xb7: {  	[tilespmem:s14], [sflag:$0x1] =	stream.linear.gather [hbm4b:s19+s2], $0x80, $0x38;
	[tilespmem:$0x14000] =	vst v63  }
0xb8: {  	s21 =	sand.u32 $0x1FFFFFF0, s31;
	(v2sf) =	vpush v1, $0xA;
	s25 =	sand.u32 $0x1FFFFFF0, s24;
	s26 =	spop (v2sf)  }
0xb9: {  	s24 =	sadd.s32 $0x200, s14;
	s19 =	sadd.s32 s4, s25;
	s28 =	spop (v2sf)  }
0xba: {  	(v2sf) =	vpush v1, $0xB;
	[tilespmem:s0], [sflag:$0x1] =	stream.linear.gather [hbm4b:s19+s2], $0x80, $0x38;
	[tilespmem:$0x14000] =	vst v63  }
0xbb: {  	s29 =	sadd.s32 s4, s21;
	s30 =	sand.u32 $0x1FFFFFF0, s26;
	s31 =	sand.u32 $0x1FFFFFF0, s28  }
0xbc: {  	(v2sf) =	vpush v1, $0xC;
	[tilespmem:s20], [sflag:$0x1] =	stream.linear.gather [hbm4b:s29+s2], $0x80, $0x38;
	[tilespmem:$0x14000] =	vst v63  }
0xbd: {  	s19 =	sadd.s32 s4, s30;
	s23 =	spop (v2sf);
	s20 =	sadd.s32 $0x180, s14  }
0xbe: {  	(v2sf) =	vpush v1, $0xD;
	[tilespmem:s20], [sflag:$0x1] =	stream.linear.gather [hbm4b:s19+s2], $0x80, $0x38;
	[tilespmem:$0x14000] =	vst v63  }
0xbf: {  	s25 =	sadd.s32 s4, s31;
	s26 =	sand.u32 $0x1FFFFFF0, s23;
	s28 =	spop (v2sf)  }
0xc0: {  	[tilespmem:s24], [sflag:$0x1] =	stream.linear.gather [hbm4b:s25+s2], $0x80, $0x38;
	[tilespmem:$0x14000] =	vst v63  }
0xc1: {  	s29 =	sadd.s32 s4, s26;
	s30 =	sand.u32 $0x1FFFFFF0, s28;
	s31 =	spop (v2sf)  }
0xc2: {  	(v2sf) =	vpush v1, $0xE;
	[tilespmem:s22], [sflag:$0x1] =	stream.linear.gather [hbm4b:s29+s2], $0x80, $0x38;
	[tilespmem:$0x14000] =	vst v63  }
0xc3: {  	s19 =	sadd.s32 s4, s30;
	s20 =	sand.u32 $0x1FFFFFF0, s31;
	s21 =	spop (v2sf)  }
0xc4: {  	(v2sf) =	vpush v1, $0xF;
	[tilespmem:s10], [sflag:$0x1] =	stream.linear.gather [hbm4b:s19+s2], $0x80, $0x38;
	[tilespmem:$0x14000] =	vst v63  }
0xc5: {  	s22 =	sadd.s32 s4, s20;
	s23 =	sand.u32 $0x1FFFFFF0, s21;
	s24 =	spop (v2sf)  }
0xc6: {  	[tilespmem:s18], [sflag:$0x1] =	stream.linear.gather [hbm4b:s22+s2], $0x80, $0x38;
	[tilespmem:$0x14000] =	vst v63  }
0xc7: {  	s25 =	sadd.s32 s4, s23;
	s26 =	sand.u32 $0x1FFFFFF0, s24;
	s28 =	spop (v2sf)  }
0xc8: {  	[tilespmem:s1], [sflag:$0x1] =	stream.linear.gather [hbm4b:s25+s2], $0x80, $0x38;
	[tilespmem:$0x14000] =	vst v63  }
0xc9: {  	s29 =	sadd.s32 s4, s26;
	s30 =	sand.u32 $0x1FFFFFF0, s28;
	s31 =	spop (v2sf)  }
0xca: {  	[tilespmem:s6], [sflag:$0x1] =	stream.linear.gather [hbm4b:s29+s2], $0x80, $0x38;
	[tilespmem:$0x14000] =	vst v63  }
0xcb: {  	s10 =	sand.u32 $0x1FFFFFF0, s31;
	s18 =	spop (v2sf);
	s6 =	sadd.s32 s4, s30  }
0xcc: {  	[tilespmem:s7], [sflag:$0x1] =	stream.linear.gather [hbm4b:s6+s2], $0x80, $0x38;
	[tilespmem:$0x14000] =	vst v63  }
0xcd: {  	s19 =	sadd.s32 s4, s10;
	s20 =	sand.u32 $0x1FFFFFF0, s18;
	s21 =	spop (v2sf)  }
0xce: {  	[tilespmem:s17], [sflag:$0x1] =	stream.linear.gather [hbm4b:s19+s2], $0x80, $0x38;
	[tilespmem:$0x14000] =	vst v63  }
0xcf: {  	s16 =	sadd.s32 $0x600, s14;
	s22 =	sadd.s32 s4, s20;
	s23 =	sand.u32 $0x1FFFFFF0, s21  }
0xd0: {  	[tilespmem:s16], [sflag:$0x1] =	stream.linear.gather [hbm4b:s22+s2], $0x80, $0x38;
	[tilespmem:$0x14000] =	vst v63  }
0xd1: {  	s15 =	sadd.s32 $0x680, s14;
	s24 =	spop (v2sf);
	s25 =	sadd.s32 s4, s23  }
0xd2: {  	[tilespmem:s15], [sflag:$0x1] =	stream.linear.gather [hbm4b:s25+s2], $0x80, $0x38;
	[tilespmem:$0x14000] =	vst v63  }
.Ltmp1:
0xd3: {  	s26 =	sand.u32 $0x1FFFFFF0, s24;
	s28 =	spop (v2sf);
	(pc) =	sbr.rel @p0 .LBB2_2-.Ltmp1, $4  }
0xd4: {  	s29 =	sadd.s32 $0x700, s14;
	s1 =	sadd.s32 s4, s26;
	s6 =	sand.u32 $0x1FFFFFF0, s28  }
0xd5: {  	[tilespmem:s29], [sflag:$0x1] =	stream.linear.gather [hbm4b:s1+s2], $0x80, $0x38;
	[tilespmem:$0x14000] =	vst v63  }
0xd6: {  	s12 =	sadd.s32 $0x4000, s12;
	s30 =	sadd.s32 $0x780, s14;
	s31 =	sadd.s32 s4, s6  }
0xd7: {  	[tilespmem:s30], [sflag:$0x1] =	stream.linear.gather [hbm4b:s31+s2], $0x80, $0x38;
	[tilespmem:$0x14000] =	vst v63  }
0xd8: {  	_ =	swait.ge [sflag:s9], $0x10000  }
0xd9: {  	[sflag:s9] =	ssyncset.done $0x0  }
0xda: {  	s1 =	simm.s32 $0x4000;
	s0 =	rddreg [dreg:$0x2];
	[sflag:s9] =	ssyncadd.s32 $0xFFFF0000  }
0xdb: {  	[hbm4b:s0+s2] =	stream.linear.scatter [tilespmem:s1], [sflag:$0x2], $0x10000, $0x38;
	[tilespmem:$0x14000] =	vst v63  }
0xdc: {  	_ =	swait.ge [sflag:s8], $0x10000  }
0xdd: {  	s11 =	sadd.s32 $0x1, s11;
	s31 =	rddreg [dreg:$0x3]  }
0xde: {  	p0 =	sne.s32 s11, s31  }
.Ltmp2:
0xdf: {  	_ = 	snop;
	(pc) =	sbr.rel @p0 .LBB2_1-.Ltmp2, $3  }
0xe0: {  	_ =	sdelay $0x1  }
0xe1: {  	[sflag:s8] =	ssyncset.done $0x0  }
0xe2: {  	[sflag:s8] =	ssyncadd.s32 $0xFFFF0000  }
0xe3: {  	_ =	sfence.sel $0x180000  }
0xe4: {  	[bflag:$0x0] =	sbarrier.arrive $0xFFFF  }
0xe5: {  	_ =	strace $0x90000047  }
0xe6: {  	s0 =	stileid.u32;
	[bflag:$0x2] =	sbarrier.arrive $0xFFFF  }
0xe7: {  	p0 =	sne.s32 s0, $0x0;
	s0 =	rddreg [dreg:$0x1]  }
0xe8: {  	s0 =	sadd.s32 @!p0 $0x100000, s0  }
0xe9: {  	[sflag:s0] =	ssyncadd.tile.s32 @!p0 $0x1;
	_ =	shalt  }
.Lfunc_end2:
_tile_overlayer_lowered:
.L_overlay_start_2:
0xea: {  	(tag) =	ssettag $0x2  }
0xeb: {  	s0 =	rddreg [dreg:$0x0];
	s2 =	stileid.u32  }
0xec: {  	s1 =	rddreg [dreg:$0x1];
	p0 =	sne.s32 s2, $0x0  }
0xed: {  	s3 =	rddreg [dreg:$0x2];
	[bflag:$0x3] =	sbarrier.arrive $0xFFFF;
	s2 =	simm.s32 @!p0 $0x1C02  }
0xee: {  	[timem:s3], [sflag:s2] =	dma.local @!p0 [hbm:s0], s1  }
0xef: {  	s0 =	simm.s32 @!p0 $0x2  }
0xf0: {  	_ =	swait.ge @!p0 [sflag:s0], s1  }
0xf1: {  	s1 =	ssub.s32 @!p0 $0x0, s1;
	[sflag:s0] =	ssyncset.done @!p0 $0x0  }
0xf2: {  	[sflag:s0] =	ssyncadd.s32 @!p0 s1  }
0xf3: {  	[bflag:$0x3] =	sbarrier.arrive $0xFFFF  }
0xf4: {  	_ =	shalt  }

</sc_bundles>
